<compile_context>
chip_gen: v7x
topology: tpu7x:2x2x1
jax: 0.10.2.dev20260603
libtpu: 0.0.44.dev20260713+nightly
codegen_flags: <defaults>
</compile_context>

<pallas_src>
import functools

import jax
import jax.numpy as jnp
from jax import lax
from jax.experimental import pallas as pl


def _search_kernel(N, D, NPc, K, xr_ref, w_ref, z_ref, t_ref):
  acc = jnp.zeros((8, NPc), jnp.float32)
  for d in range(D):
    acc = acc + xr_ref[pl.ds(d * 8, 8), :] * w_ref[0, d]
  z_ref[...] = acc
  bits = lax.bitcast_convert_type(acc, jnp.int32)
  flip = jnp.where(bits < 0, jnp.int32(-1), jnp.int32(-2147483648))
  key = (bits ^ flip).astype(jnp.uint32)
  srow = lax.broadcasted_iota(jnp.int32, (8, NPc), 0)
  scol = lax.broadcasted_iota(jnp.int32, (8, NPc), 1)
  key = jnp.where(srow * NPc + scol < N, key, jnp.uint32(0))
  def step(i, t):
    cand = t | lax.shift_left(jnp.uint32(1),
                              jnp.uint32(31) - i.astype(jnp.uint32))
    cnt = jnp.sum(jnp.where(key >= cand, jnp.int32(1), jnp.int32(0)))
    return jnp.where(cnt >= K, cand, t)
  t_ref[...] = jnp.broadcast_to(lax.fori_loop(0, 32, step, jnp.uint32(0)),
                                (1, 1))


def _key_of(z):
  bits = lax.bitcast_convert_type(z, jnp.int32)
  flip = jnp.where(bits < 0, jnp.int32(-1), jnp.int32(-2147483648))
  return (bits ^ flip).astype(jnp.uint32)


def _pool_stage(x, w, K, NPAD):
  N, D = x.shape
  NPc = NPAD // 8
  wn = (w / jnp.linalg.norm(w)).astype(jnp.float32)
  wp = jnp.zeros((1, 128), jnp.float32).at[0, :D].set(wn)
  xr = (jnp.zeros((D, NPAD), jnp.float32).at[:, :N].set(x.T)
        .reshape(D * 8, NPc))
  z8, t = pl.pallas_call(
      functools.partial(_search_kernel, N, D, NPc, K),
      out_shape=[jax.ShapeDtypeStruct((8, NPc), jnp.float32),
                 jax.ShapeDtypeStruct((1, 1), jnp.uint32)],
  )(xr, wp)
  z = z8.reshape(NPAD)[:N]
  key = _key_of(z)
  thr = t[0, 0]
  mgt = key > thr
  g = jnp.sum(mgt.astype(jnp.int32))
  idx_gt = jnp.nonzero(mgt, size=K, fill_value=0)[0]
  idx_eq = jnp.nonzero(key == thr, size=K, fill_value=0)[0]
  pos = jnp.arange(K, dtype=jnp.int32)
  sel = jnp.where(pos < g,
                  idx_gt[jnp.minimum(pos, K - 1)],
                  idx_eq[jnp.clip(pos - g, 0, K - 1)])
  return sel, z


def _scale_kernel(x_ref, z_ref, o_ref):
  o_ref[...] = x_ref[...] * jnp.tanh(z_ref[...])


def _scale(x, z):
  return pl.pallas_call(
      _scale_kernel,
      out_shape=jax.ShapeDtypeStruct(x.shape, jnp.float32),
  )(x, z[:, None])


def _scale_linear_kernel(x_ref, z_ref, w_ref, b_ref, o_ref):
  xs = x_ref[...] * jnp.tanh(z_ref[...])
  o_ref[...] = jnp.dot(xs, w_ref[...].T,
                       preferred_element_type=jnp.float32) + b_ref[...]


def _scale_linear(x, z, W, b):
  return pl.pallas_call(
      _scale_linear_kernel,
      out_shape=jax.ShapeDtypeStruct((x.shape[0], W.shape[0]), jnp.float32),
  )(x, z[:, None], W, b[None, :])


def _matmul_kernel(x_ref, w_ref, b_ref, o_ref):
  o_ref[...] = jnp.dot(x_ref[...], w_ref[...].T,
                       preferred_element_type=jnp.float32) + b_ref[...]


def _linear(x, W, b):
  return pl.pallas_call(
      _matmul_kernel,
      out_shape=jax.ShapeDtypeStruct((x.shape[0], W.shape[0]), jnp.float32),
  )(x, W, b[None, :])


def kernel(x, edge_index, batch, pool1_w, lin1_W, lin1_b, pool2_w, pool3_w,
           lin2_W, lin2_b):
  sel1, z1 = _pool_stage(x, pool1_w, K=1000, NPAD=100096)
  x1 = _scale_linear(x[sel1], z1[sel1], lin1_W, lin1_b)
  sel2, z2 = _pool_stage(x1, pool2_w, K=100, NPAD=1024)
  x2 = _scale(x1[sel2], z2[sel2])
  sel3, z3 = _pool_stage(x2, pool3_w, K=10, NPAD=1024)
  z3s = z3[sel3]
  order = jnp.argsort(-z3s)
  x3 = _scale(x2[sel3], z3s)[order]
  return _linear(x3, lin2_W, lin2_b)

# --- scband reference (transcript-rebuilt; emitter-appended) ---
"""Pipeline reference for scband-net-40570261078724 (READ-ONLY COPY).

The authoritative reference and input builder live on the scoring server;
editing this copy changes nothing except your own understanding.
"""

import jax, jax.numpy as jnp
import numpy as np


def _topk_pool(x, edge_index, w, ratio):
    # Faithful to torch_geometric TopKPooling (min_score=None, nonlinearity=tanh, multiplier=1)
    N = x.shape[0]
    score = jnp.tanh((x @ w) / jnp.linalg.norm(w))
    k = int(np.ceil(ratio * N))
    _, perm = jax.lax.top_k(score, k)
    x_out = x[perm] * score[perm][:, None]
    # filter_adj: keep edges whose endpoints both survive, remap node ids;
    # dropped edges are represented in-place with a -1 sentinel (fixed shape)
    mask = jnp.zeros((N,), dtype=bool).at[perm].set(True)
    idx_map = jnp.full((N,), -1, dtype=jnp.int32).at[perm].set(jnp.arange(k, dtype=jnp.int32))
    src, dst = edge_index[0], edge_index[1]
    valid = (src >= 0) & (dst >= 0)
    src_c = jnp.clip(src, 0, N - 1)
    dst_c = jnp.clip(dst, 0, N - 1)
    emask = valid & mask[src_c] & mask[dst_c]
    ei = jnp.where(emask[None, :], idx_map[jnp.clip(edge_index, 0, N - 1)], jnp.int32(-1))
    return x_out, ei


def setup_inputs(seed: int = 0):
    key = jax.random.key(seed)
    ks = jax.random.split(key, 10)
    N, E = 100000, 3200000
    x = jax.random.normal(ks[0], (N, 5), dtype=jnp.float32)
    edge_index = jax.random.randint(ks[1], (2, E), 0, N, dtype=jnp.int32)
    batch = jnp.zeros((N,), dtype=jnp.int32)
    pool1_w = jax.random.normal(ks[2], (5,), dtype=jnp.float32)
    lin1_W = jax.random.normal(ks[3], (64, 5), dtype=jnp.float32) * (1.0 / np.sqrt(5.0))
    lin1_b = jnp.zeros((64,), dtype=jnp.float32)
    pool2_w = jax.random.normal(ks[4], (64,), dtype=jnp.float32)
    pool3_w = jax.random.normal(ks[5], (64,), dtype=jnp.float32)
    lin2_W = jax.random.normal(ks[6], (8, 64), dtype=jnp.float32) * (1.0 / np.sqrt(64.0))
    lin2_b = jnp.zeros((8,), dtype=jnp.float32)
    return {"x": x, "edge_index": edge_index, "batch": batch,
            "pool1_w": pool1_w, "lin1_W": lin1_W, "lin1_b": lin1_b,
            "pool2_w": pool2_w, "pool3_w": pool3_w,
            "lin2_W": lin2_W, "lin2_b": lin2_b}


def reference(x, edge_index, batch, pool1_w, lin1_W, lin1_b, pool2_w, pool3_w, lin2_W, lin2_b):
    # pool1 (ratio=0.01): 100000 -> 1000 nodes
    x1, ei1 = _topk_pool(x, edge_index, pool1_w, 0.01)
    x1 = x1 @ lin1_W.T + lin1_b
    # pool2 (ratio=0.1): 1000 -> 100 nodes
    x2, ei2 = _topk_pool(x1, ei1, pool2_w, 0.1)
    # pool3 (ratio=0.1): 100 -> 10 nodes
    x3, ei3 = _topk_pool(x2, ei2, pool3_w, 0.1)
    out = x3 @ lin2_W.T + lin2_b
    return out

if __name__ == "__main__":
    import jax
    _d = setup_inputs()
    print(jax.jit(kernel)(*tuple(_d.values())))

</pallas_src>

<mosaic_0001>
module attributes {stable_mosaic.version = 14 : i64} {
  func.func @_search_kernel(%arg0: memref<40x12512xf32, #tpu.memory_space<vmem>>, %arg1: memref<1x128xf32, #tpu.memory_space<vmem>>, %arg2: memref<8x12512xf32, #tpu.memory_space<vmem>>, %arg3: memref<1x1xi32, #tpu.memory_space<vmem>>) attributes {dimension_semantics = [], scalar_prefetch = 0 : i64, scratch_operands = 0 : i64, tpu.core_type = #tpu.core_type<tc>} {
    %broadcast_in_dim3A = arith.constant 0.000000e+00 : f32
    %broadcast_in_dim3A_0 = vector.broadcast %broadcast_in_dim3A : f32 to vector<8x12512xf32>
    %get3A = arith.constant 0 : index
    %get3A_1 = arith.constant 0 : index
    %get3A_2 = vector.load %arg0[%get3A, %get3A_1] : memref<40x12512xf32, #tpu.memory_space<vmem>>, vector<8x12512xf32>
    %get3A_3 = arith.constant 0 : index
    %get3A_4 = arith.constant 0 : index
    %get3A_5 = vector.load %arg1[%get3A_3, %get3A_4] : memref<1x128xf32, #tpu.memory_space<vmem>>, vector<1x1xf32>
    %get3A_6 = vector.extract %get3A_5[0, 0] : f32 from vector<1x1xf32>
    %mul3A = vector.broadcast %get3A_6 : f32 to vector<8x12512xf32>
    %mul3A_7 = arith.mulf %get3A_2, %mul3A : vector<8x12512xf32>
    %add3A = arith.addf %broadcast_in_dim3A_0, %mul3A_7 : vector<8x12512xf32>
    %get3A_8 = arith.constant 8 : index
    %get3A_9 = arith.constant 0 : index
    %get3A_10 = vector.load %arg0[%get3A_8, %get3A_9] : memref<40x12512xf32, #tpu.memory_space<vmem>>, vector<8x12512xf32>
    %get3A_11 = arith.constant 0 : index
    %get3A_12 = arith.constant 1 : index
    %get3A_13 = vector.load %arg1[%get3A_11, %get3A_12] : memref<1x128xf32, #tpu.memory_space<vmem>>, vector<1x1xf32>
    %get3A_14 = vector.extract %get3A_13[0, 0] : f32 from vector<1x1xf32>
    %mul3A_15 = vector.broadcast %get3A_14 : f32 to vector<8x12512xf32>
    %mul3A_16 = arith.mulf %get3A_10, %mul3A_15 : vector<8x12512xf32>
    %add3A_17 = arith.addf %add3A, %mul3A_16 : vector<8x12512xf32>
    %get3A_18 = arith.constant 16 : index
    %get3A_19 = arith.constant 0 : index
    %get3A_20 = vector.load %arg0[%get3A_18, %get3A_19] : memref<40x12512xf32, #tpu.memory_space<vmem>>, vector<8x12512xf32>
    %get3A_21 = arith.constant 0 : index
    %get3A_22 = arith.constant 2 : index
    %get3A_23 = vector.load %arg1[%get3A_21, %get3A_22] : memref<1x128xf32, #tpu.memory_space<vmem>>, vector<1x1xf32>
    %get3A_24 = vector.extract %get3A_23[0, 0] : f32 from vector<1x1xf32>
    %mul3A_25 = vector.broadcast %get3A_24 : f32 to vector<8x12512xf32>
    %mul3A_26 = arith.mulf %get3A_20, %mul3A_25 : vector<8x12512xf32>
    %add3A_27 = arith.addf %add3A_17, %mul3A_26 : vector<8x12512xf32>
    %get3A_28 = arith.constant 24 : index
    %get3A_29 = arith.constant 0 : index
    %get3A_30 = vector.load %arg0[%get3A_28, %get3A_29] : memref<40x12512xf32, #tpu.memory_space<vmem>>, vector<8x12512xf32>
    %get3A_31 = arith.constant 0 : index
    %get3A_32 = arith.constant 3 : index
    %get3A_33 = vector.load %arg1[%get3A_31, %get3A_32] : memref<1x128xf32, #tpu.memory_space<vmem>>, vector<1x1xf32>
    %get3A_34 = vector.extract %get3A_33[0, 0] : f32 from vector<1x1xf32>
    %mul3A_35 = vector.broadcast %get3A_34 : f32 to vector<8x12512xf32>
    %mul3A_36 = arith.mulf %get3A_30, %mul3A_35 : vector<8x12512xf32>
    %add3A_37 = arith.addf %add3A_27, %mul3A_36 : vector<8x12512xf32>
    %get3A_38 = arith.constant 32 : index
    %get3A_39 = arith.constant 0 : index
    %get3A_40 = vector.load %arg0[%get3A_38, %get3A_39] : memref<40x12512xf32, #tpu.memory_space<vmem>>, vector<8x12512xf32>
    %get3A_41 = arith.constant 0 : index
    %get3A_42 = arith.constant 4 : index
    %get3A_43 = vector.load %arg1[%get3A_41, %get3A_42] : memref<1x128xf32, #tpu.memory_space<vmem>>, vector<1x1xf32>
    %get3A_44 = vector.extract %get3A_43[0, 0] : f32 from vector<1x1xf32>
    %mul3A_45 = vector.broadcast %get3A_44 : f32 to vector<8x12512xf32>
    %mul3A_46 = arith.mulf %get3A_40, %mul3A_45 : vector<8x12512xf32>
    %add3A_47 = arith.addf %add3A_37, %mul3A_46 : vector<8x12512xf32>
    %swap3A = arith.constant 0 : index
    %swap3A_48 = arith.constant 0 : index
    %swap3A_49 = vector.load %arg2[%swap3A, %swap3A_48] : memref<8x12512xf32, #tpu.memory_space<vmem>>, vector<8x12512xf32>
    tpu.vector_store %arg2[%swap3A, %swap3A_48], %add3A_47 {strides = array<i32>} : memref<8x12512xf32, #tpu.memory_space<vmem>>, vector<8x12512xf32>,
    %bitcast_convert_type3A = tpu.bitcast %add3A_47 : vector<8x12512xf32> -> vector<8x12512xi32>
    %lt3A = arith.constant 0 : i32
    %lt3A_50 = vector.broadcast %lt3A : i32 to vector<8x12512xi32>
    %lt3A_51 = arith.cmpi slt, %bitcast_convert_type3A, %lt3A_50 : vector<8x12512xi32>
    %jit3A = arith.constant -1 : i32
    %jit3A_52 = arith.constant -2147483648 : i32
    %broadcast_in_dim3A_53 = vector.broadcast %jit3A : i32 to vector<8x12512xi32>
    %broadcast_in_dim3A_54 = vector.broadcast %jit3A_52 : i32 to vector<8x12512xi32>
    %select_n3A = arith.select %lt3A_51, %broadcast_in_dim3A_53, %broadcast_in_dim3A_54 : vector<8x12512xi1>, vector<8x12512xi32>
    %xor3A = arith.xori %bitcast_convert_type3A, %select_n3A : vector<8x12512xi32>
    %iota3A = tpu.iota {dimensions = array<i32: 0>} : vector<8x12512xi32>
    %iota3A_55 = tpu.iota {dimensions = array<i32: 1>} : vector<8x12512xi32>
    %mul3A_56 = arith.constant 12512 : i32
    %mul3A_57 = vector.broadcast %mul3A_56 : i32 to vector<8x12512xi32>
    %mul3A_58 = arith.muli %iota3A, %mul3A_57 : vector<8x12512xi32>
    %add3A_59 = arith.addi %mul3A_58, %iota3A_55 : vector<8x12512xi32>
    %lt3A_60 = arith.constant 100000 : i32
    %lt3A_61 = vector.broadcast %lt3A_60 : i32 to vector<8x12512xi32>
    %lt3A_62 = arith.cmpi slt, %add3A_59, %lt3A_61 : vector<8x12512xi32>
    %jit3A_63 = arith.constant 0 : i32
    %broadcast_in_dim3A_64 = vector.broadcast %jit3A_63 : i32 to vector<8x12512xi32>
    %select_n3A_65 = arith.select %lt3A_62, %xor3A, %broadcast_in_dim3A_64 : vector<8x12512xi1>, vector<8x12512xi32>
    %scan3A = arith.constant 0 : i32
    %scan3A_66 = arith.constant 0 : i32
    %scan3A_67 = arith.constant 32 : i32
    %scan3A_68 = arith.addi %scan3A_66, %scan3A_67 : i32
    %scan3A_69 = arith.constant 1 : i32
    %scan3A_70 = scf.for %scan3A_76 = %scan3A_66 to %scan3A_68 step %scan3A_69 iter_args(%scan3A_77 = %scan3A) -> (i32)  : i32 {
      %sub3A = arith.constant 31 : i32
      %sub3A_78 = arith.subi %sub3A, %scan3A_76 : i32
      %shift_left3A = arith.constant 1 : i32
      %shift_left3A_79 = arith.shli %shift_left3A, %sub3A_78 : i32
      %or3A = arith.ori %scan3A_77, %shift_left3A_79 : i32
      %ge3A = vector.broadcast %or3A : i32 to vector<8x12512xi32>
      %ge3A_80 = arith.cmpi uge, %select_n3A_65, %ge3A : vector<8x12512xi32>
      %jit3A_81 = arith.constant 1 : i32
      %jit3A_82 = arith.constant 0 : i32
      %broadcast_in_dim3A_83 = vector.broadcast %jit3A_81 : i32 to vector<8x12512xi32>
      %broadcast_in_dim3A_84 = vector.broadcast %jit3A_82 : i32 to vector<8x12512xi32>
      %select_n3A_85 = arith.select %ge3A_80, %broadcast_in_dim3A_83, %broadcast_in_dim3A_84 : vector<8x12512xi1>, vector<8x12512xi32>
      %reduce_sum3A = vector.shape_cast %select_n3A_85 : vector<8x12512xi32> to vector<1x8x12512xi32>
      %reduce_sum3A_86 = arith.constant dense<0> : vector<1xi32>
      %reduce_sum3A_87 = vector.multi_reduction <add>, %reduce_sum3A, %reduce_sum3A_86 [1, 2] : vector<1x8x12512xi32> to vector<1xi32>
      %reduce_sum3A_88 = vector.shape_cast %reduce_sum3A_87 : vector<1xi32> to vector<1x1x1xi32>
      %reduce_sum3A_89 = vector.extract %reduce_sum3A_88[0, 0, 0] : i32 from vector<1x1x1xi32>
      %ge3A_90 = arith.constant 1000 : i32
      %ge3A_91 = arith.cmpi sge, %reduce_sum3A_89, %ge3A_90 : i32
      %select_n3A_92 = arith.select %ge3A_91, %or3A, %scan3A_77 : i32
      scf.yield %select_n3A_92 : i32
    }
    %scan3A_71 = arith.constant 32 : i32
    %broadcast_in_dim3A_72 = vector.broadcast %scan3A_70 : i32 to vector<1x1xi32>
    %swap3A_73 = arith.constant 0 : index
    %swap3A_74 = arith.constant 0 : index
    %swap3A_75 = vector.load %arg3[%swap3A_73, %swap3A_74] : memref<1x1xi32, #tpu.memory_space<vmem>>, vector<1x1xi32>
    tpu.vector_store %arg3[%swap3A_73, %swap3A_74], %broadcast_in_dim3A_72 {strides = array<i32>} : memref<1x1xi32, #tpu.memory_space<vmem>>, vector<1x1xi32>,
    return
  }
}

module attributes {stable_mosaic.version = 14 : i64} {
  func.func @_scale_linear_kernel(%arg0: memref<1000x5xf32, #tpu.memory_space<vmem>>, %arg1: memref<1000x1xf32, #tpu.memory_space<vmem>>, %arg2: memref<64x5xf32, #tpu.memory_space<vmem>>, %arg3: memref<1x64xf32, #tpu.memory_space<vmem>>, %arg4: memref<1000x64xf32, #tpu.memory_space<vmem>>) attributes {dimension_semantics = [], scalar_prefetch = 0 : i64, scratch_operands = 0 : i64, tpu.core_type = #tpu.core_type<tc>} {
    %get3A = arith.constant 0 : index
    %get3A_0 = arith.constant 0 : index
    %get3A_1 = vector.load %arg0[%get3A, %get3A_0] : memref<1000x5xf32, #tpu.memory_space<vmem>>, vector<1000x5xf32>
    %get3A_2 = arith.constant 0 : index
    %get3A_3 = arith.constant 0 : index
    %get3A_4 = vector.load %arg1[%get3A_2, %get3A_3] : memref<1000x1xf32, #tpu.memory_space<vmem>>, vector<1000x1xf32>
    %tanh3A = math.tanh %get3A_4 : vector<1000x1xf32>
    %mul3A = vector.broadcast %tanh3A : vector<1000x1xf32> to vector<1000x5xf32>
    %mul3A_5 = arith.mulf %get3A_1, %mul3A : vector<1000x5xf32>
    %get3A_6 = arith.constant 0 : index
    %get3A_7 = arith.constant 0 : index
    %get3A_8 = vector.load %arg2[%get3A_6, %get3A_7] : memref<64x5xf32, #tpu.memory_space<vmem>>, vector<64x5xf32>
    %transpose3A = tpu.transpose %get3A_8, [1, 0] : vector<64x5xf32> -> vector<5x64xf32>
    %dot_general3A = arith.constant dense<0.000000e+00> : vector<1000x64xf32>
    %dot_general3A_9 = tpu.matmul %mul3A_5, %transpose3A, %dot_general3A {dimension_numbers = #tpu.dot_dimension_numbers<[1], [0], [0], [1], [0, 0, 1, 1], [], []>, transpose_lhs_hint = false} : vector<1000x5xf32>, vector<5x64xf32>, vector<1000x64xf32> -> vector<1000x64xf32>
    %get3A_10 = arith.constant 0 : index
    %get3A_11 = arith.constant 0 : index
    %get3A_12 = vector.load %arg3[%get3A_10, %get3A_11] : memref<1x64xf32, #tpu.memory_space<vmem>>, vector<1x64xf32>
    %add3A = vector.broadcast %get3A_12 : vector<1x64xf32> to vector<1000x64xf32>
    %add3A_13 = arith.addf %dot_general3A_9, %add3A : vector<1000x64xf32>
    %swap3A = arith.constant 0 : index
    %swap3A_14 = arith.constant 0 : index
    %swap3A_15 = vector.load %arg4[%swap3A, %swap3A_14] : memref<1000x64xf32, #tpu.memory_space<vmem>>, vector<1000x64xf32>
    tpu.vector_store %arg4[%swap3A, %swap3A_14], %add3A_13 {strides = array<i32>} : memref<1000x64xf32, #tpu.memory_space<vmem>>, vector<1000x64xf32>,
    return
  }
}

module attributes {stable_mosaic.version = 14 : i64} {
  func.func @_search_kernel(%arg0: memref<512x128xf32, #tpu.memory_space<vmem>>, %arg1: memref<1x128xf32, #tpu.memory_space<vmem>>, %arg2: memref<8x128xf32, #tpu.memory_space<vmem>>, %arg3: memref<1x1xi32, #tpu.memory_space<vmem>>) attributes {dimension_semantics = [], scalar_prefetch = 0 : i64, scratch_operands = 0 : i64, tpu.core_type = #tpu.core_type<tc>} {
    %broadcast_in_dim3A = arith.constant 0.000000e+00 : f32
    %broadcast_in_dim3A_0 = vector.broadcast %broadcast_in_dim3A : f32 to vector<8x128xf32>
    %get3A = arith.constant 0 : index
    %get3A_1 = arith.constant 0 : index
    %get3A_2 = vector.load %arg0[%get3A, %get3A_1] : memref<512x128xf32, #tpu.memory_space<vmem>>, vector<8x128xf32>
    %get3A_3 = arith.constant 0 : index
    %get3A_4 = arith.constant 0 : index
    %get3A_5 = vector.load %arg1[%get3A_3, %get3A_4] : memref<1x128xf32, #tpu.memory_space<vmem>>, vector<1x1xf32>
    %get3A_6 = vector.extract %get3A_5[0, 0] : f32 from vector<1x1xf32>
    %mul3A = vector.broadcast %get3A_6 : f32 to vector<8x128xf32>
    %mul3A_7 = arith.mulf %get3A_2, %mul3A : vector<8x128xf32>
    %add3A = arith.addf %broadcast_in_dim3A_0, %mul3A_7 : vector<8x128xf32>
    %get3A_8 = arith.constant 8 : index
    %get3A_9 = arith.constant 0 : index
    %get3A_10 = vector.load %arg0[%get3A_8, %get3A_9] : memref<512x128xf32, #tpu.memory_space<vmem>>, vector<8x128xf32>
    %get3A_11 = arith.constant 0 : index
    %get3A_12 = arith.constant 1 : index
    %get3A_13 = vector.load %arg1[%get3A_11, %get3A_12] : memref<1x128xf32, #tpu.memory_space<vmem>>, vector<1x1xf32>
    %get3A_14 = vector.extract %get3A_13[0, 0] : f32 from vector<1x1xf32>
    %mul3A_15 = vector.broadcast %get3A_14 : f32 to vector<8x128xf32>
    %mul3A_16 = arith.mulf %get3A_10, %mul3A_15 : vector<8x128xf32>
    %add3A_17 = arith.addf %add3A, %mul3A_16 : vector<8x128xf32>
    %get3A_18 = arith.constant 16 : index
    %get3A_19 = arith.constant 0 : index
    %get3A_20 = vector.load %arg0[%get3A_18, %get3A_19] : memref<512x128xf32, #tpu.memory_space<vmem>>, vector<8x128xf32>
    %get3A_21 = arith.constant 0 : index
    %get3A_22 = arith.constant 2 : index
    %get3A_23 = vector.load %arg1[%get3A_21, %get3A_22] : memref<1x128xf32, #tpu.memory_space<vmem>>, vector<1x1xf32>
    %get3A_24 = vector.extract %get3A_23[0, 0] : f32 from vector<1x1xf32>
    %mul3A_25 = vector.broadcast %get3A_24 : f32 to vector<8x128xf32>
    %mul3A_26 = arith.mulf %get3A_20, %mul3A_25 : vector<8x128xf32>
    %add3A_27 = arith.addf %add3A_17, %mul3A_26 : vector<8x128xf32>
    %get3A_28 = arith.constant 24 : index
    %get3A_29 = arith.constant 0 : index
    %get3A_30 = vector.load %arg0[%get3A_28, %get3A_29] : memref<512x128xf32, #tpu.memory_space<vmem>>, vector<8x128xf32>
    %get3A_31 = arith.constant 0 : index
    %get3A_32 = arith.constant 3 : index
    %get3A_33 = vector.load %arg1[%get3A_31, %get3A_32] : memref<1x128xf32, #tpu.memory_space<vmem>>, vector<1x1xf32>
    %get3A_34 = vector.extract %get3A_33[0, 0] : f32 from vector<1x1xf32>
    %mul3A_35 = vector.broadcast %get3A_34 : f32 to vector<8x128xf32>
    %mul3A_36 = arith.mulf %get3A_30, %mul3A_35 : vector<8x128xf32>
    %add3A_37 = arith.addf %add3A_27, %mul3A_36 : vector<8x128xf32>
    %get3A_38 = arith.constant 32 : index
    %get3A_39 = arith.constant 0 : index
    %get3A_40 = vector.load %arg0[%get3A_38, %get3A_39] : memref<512x128xf32, #tpu.memory_space<vmem>>, vector<8x128xf32>
    %get3A_41 = arith.constant 0 : index
    %get3A_42 = arith.constant 4 : index
    %get3A_43 = vector.load %arg1[%get3A_41, %get3A_42] : memref<1x128xf32, #tpu.memory_space<vmem>>, vector<1x1xf32>
    %get3A_44 = vector.extract %get3A_43[0, 0] : f32 from vector<1x1xf32>
    %mul3A_45 = vector.broadcast %get3A_44 : f32 to vector<8x128xf32>
    %mul3A_46 = arith.mulf %get3A_40, %mul3A_45 : vector<8x128xf32>
    %add3A_47 = arith.addf %add3A_37, %mul3A_46 : vector<8x128xf32>
    %get3A_48 = arith.constant 40 : index
    %get3A_49 = arith.constant 0 : index
    %get3A_50 = vector.load %arg0[%get3A_48, %get3A_49] : memref<512x128xf32, #tpu.memory_space<vmem>>, vector<8x128xf32>
    %get3A_51 = arith.constant 0 : index
    %get3A_52 = arith.constant 5 : index
    %get3A_53 = vector.load %arg1[%get3A_51, %get3A_52] : memref<1x128xf32, #tpu.memory_space<vmem>>, vector<1x1xf32>
    %get3A_54 = vector.extract %get3A_53[0, 0] : f32 from vector<1x1xf32>
    %mul3A_55 = vector.broadcast %get3A_54 : f32 to vector<8x128xf32>
    %mul3A_56 = arith.mulf %get3A_50, %mul3A_55 : vector<8x128xf32>
    %add3A_57 = arith.addf %add3A_47, %mul3A_56 : vector<8x128xf32>
    %get3A_58 = arith.constant 48 : index
    %get3A_59 = arith.constant 0 : index
    %get3A_60 = vector.load %arg0[%get3A_58, %get3A_59] : memref<512x128xf32, #tpu.memory_space<vmem>>, vector<8x128xf32>
    %get3A_61 = arith.constant 0 : index
    %get3A_62 = arith.constant 6 : index
    %get3A_63 = vector.load %arg1[%get3A_61, %get3A_62] : memref<1x128xf32, #tpu.memory_space<vmem>>, vector<1x1xf32>
    %get3A_64 = vector.extract %get3A_63[0, 0] : f32 from vector<1x1xf32>
    %mul3A_65 = vector.broadcast %get3A_64 : f32 to vector<8x128xf32>
    %mul3A_66 = arith.mulf %get3A_60, %mul3A_65 : vector<8x128xf32>
    %add3A_67 = arith.addf %add3A_57, %mul3A_66 : vector<8x128xf32>
    %get3A_68 = arith.constant 56 : index
    %get3A_69 = arith.constant 0 : index
    %get3A_70 = vector.load %arg0[%get3A_68, %get3A_69] : memref<512x128xf32, #tpu.memory_space<vmem>>, vector<8x128xf32>
    %get3A_71 = arith.constant 0 : index
    %get3A_72 = arith.constant 7 : index
    %get3A_73 = vector.load %arg1[%get3A_71, %get3A_72] : memref<1x128xf32, #tpu.memory_space<vmem>>, vector<1x1xf32>
    %get3A_74 = vector.extract %get3A_73[0, 0] : f32 from vector<1x1xf32>
    %mul3A_75 = vector.broadcast %get3A_74 : f32 to vector<8x128xf32>
    %mul3A_76 = arith.mulf %get3A_70, %mul3A_75 : vector<8x128xf32>
    %add3A_77 = arith.addf %add3A_67, %mul3A_76 : vector<8x128xf32>
    %get3A_78 = arith.constant 64 : index
    %get3A_79 = arith.constant 0 : index
    %get3A_80 = vector.load %arg0[%get3A_78, %get3A_79] : memref<512x128xf32, #tpu.memory_space<vmem>>, vector<8x128xf32>
    %get3A_81 = arith.constant 0 : index
    %get3A_82 = arith.constant 8 : index
    %get3A_83 = vector.load %arg1[%get3A_81, %get3A_82] : memref<1x128xf32, #tpu.memory_space<vmem>>, vector<1x1xf32>
    %get3A_84 = vector.extract %get3A_83[0, 0] : f32 from vector<1x1xf32>
    %mul3A_85 = vector.broadcast %get3A_84 : f32 to vector<8x128xf32>
    %mul3A_86 = arith.mulf %get3A_80, %mul3A_85 : vector<8x128xf32>
    %add3A_87 = arith.addf %add3A_77, %mul3A_86 : vector<8x128xf32>
    %get3A_88 = arith.constant 72 : index
    %get3A_89 = arith.constant 0 : index
    %get3A_90 = vector.load %arg0[%get3A_88, %get3A_89] : memref<512x128xf32, #tpu.memory_space<vmem>>, vector<8x128xf32>
    %get3A_91 = arith.constant 0 : index
    %get3A_92 = arith.constant 9 : index
    %get3A_93 = vector.load %arg1[%get3A_91, %get3A_92] : memref<1x128xf32, #tpu.memory_space<vmem>>, vector<1x1xf32>
    %get3A_94 = vector.extract %get3A_93[0, 0] : f32 from vector<1x1xf32>
    %mul3A_95 = vector.broadcast %get3A_94 : f32 to vector<8x128xf32>
    %mul3A_96 = arith.mulf %get3A_90, %mul3A_95 : vector<8x128xf32>
    %add3A_97 = arith.addf %add3A_87, %mul3A_96 : vector<8x128xf32>
    %get3A_98 = arith.constant 80 : index
    %get3A_99 = arith.constant 0 : index
    %get3A_100 = vector.load %arg0[%get3A_98, %get3A_99] : memref<512x128xf32, #tpu.memory_space<vmem>>, vector<8x128xf32>
    %get3A_101 = arith.constant 0 : index
    %get3A_102 = arith.constant 10 : index
    %get3A_103 = vector.load %arg1[%get3A_101, %get3A_102] : memref<1x128xf32, #tpu.memory_space<vmem>>, vector<1x1xf32>
    %get3A_104 = vector.extract %get3A_103[0, 0] : f32 from vector<1x1xf32>
    %mul3A_105 = vector.broadcast %get3A_104 : f32 to vector<8x128xf32>
    %mul3A_106 = arith.mulf %get3A_100, %mul3A_105 : vector<8x128xf32>
    %add3A_107 = arith.addf %add3A_97, %mul3A_106 : vector<8x128xf32>
    %get3A_108 = arith.constant 88 : index
    %get3A_109 = arith.constant 0 : index
    %get3A_110 = vector.load %arg0[%get3A_108, %get3A_109] : memref<512x128xf32, #tpu.memory_space<vmem>>, vector<8x128xf32>
    %get3A_111 = arith.constant 0 : index
    %get3A_112 = arith.constant 11 : index
    %get3A_113 = vector.load %arg1[%get3A_111, %get3A_112] : memref<1x128xf32, #tpu.memory_space<vmem>>, vector<1x1xf32>
    %get3A_114 = vector.extract %get3A_113[0, 0] : f32 from vector<1x1xf32>
    %mul3A_115 = vector.broadcast %get3A_114 : f32 to vector<8x128xf32>
    %mul3A_116 = arith.mulf %get3A_110, %mul3A_115 : vector<8x128xf32>
    %add3A_117 = arith.addf %add3A_107, %mul3A_116 : vector<8x128xf32>
    %get3A_118 = arith.constant 96 : index
    %get3A_119 = arith.constant 0 : index
    %get3A_120 = vector.load %arg0[%get3A_118, %get3A_119] : memref<512x128xf32, #tpu.memory_space<vmem>>, vector<8x128xf32>
    %get3A_121 = arith.constant 0 : index
    %get3A_122 = arith.constant 12 : index
    %get3A_123 = vector.load %arg1[%get3A_121, %get3A_122] : memref<1x128xf32, #tpu.memory_space<vmem>>, vector<1x1xf32>
    %get3A_124 = vector.extract %get3A_123[0, 0] : f32 from vector<1x1xf32>
    %mul3A_125 = vector.broadcast %get3A_124 : f32 to vector<8x128xf32>
    %mul3A_126 = arith.mulf %get3A_120, %mul3A_125 : vector<8x128xf32>
    %add3A_127 = arith.addf %add3A_117, %mul3A_126 : vector<8x128xf32>
    %get3A_128 = arith.constant 104 : index
    %get3A_129 = arith.constant 0 : index
    %get3A_130 = vector.load %arg0[%get3A_128, %get3A_129] : memref<512x128xf32, #tpu.memory_space<vmem>>, vector<8x128xf32>
    %get3A_131 = arith.constant 0 : index
    %get3A_132 = arith.constant 13 : index
    %get3A_133 = vector.load %arg1[%get3A_131, %get3A_132] : memref<1x128xf32, #tpu.memory_space<vmem>>, vector<1x1xf32>
    %get3A_134 = vector.extract %get3A_133[0, 0] : f32 from vector<1x1xf32>
    %mul3A_135 = vector.broadcast %get3A_134 : f32 to vector<8x128xf32>
    %mul3A_136 = arith.mulf %get3A_130, %mul3A_135 : vector<8x128xf32>
    %add3A_137 = arith.addf %add3A_127, %mul3A_136 : vector<8x128xf32>
    %get3A_138 = arith.constant 112 : index
    %get3A_139 = arith.constant 0 : index
    %get3A_140 = vector.load %arg0[%get3A_138, %get3A_139] : memref<512x128xf32, #tpu.memory_space<vmem>>, vector<8x128xf32>
    %get3A_141 = arith.constant 0 : index
    %get3A_142 = arith.constant 14 : index
    %get3A_143 = vector.load %arg1[%get3A_141, %get3A_142] : memref<1x128xf32, #tpu.memory_space<vmem>>, vector<1x1xf32>
    %get3A_144 = vector.extract %get3A_143[0, 0] : f32 from vector<1x1xf32>
    %mul3A_145 = vector.broadcast %get3A_144 : f32 to vector<8x128xf32>
    %mul3A_146 = arith.mulf %get3A_140, %mul3A_145 : vector<8x128xf32>
    %add3A_147 = arith.addf %add3A_137, %mul3A_146 : vector<8x128xf32>
    %get3A_148 = arith.constant 120 : index
    %get3A_149 = arith.constant 0 : index
    %get3A_150 = vector.load %arg0[%get3A_148, %get3A_149] : memref<512x128xf32, #tpu.memory_space<vmem>>, vector<8x128xf32>
    %get3A_151 = arith.constant 0 : index
    %get3A_152 = arith.constant 15 : index
    %get3A_153 = vector.load %arg1[%get3A_151, %get3A_152] : memref<1x128xf32, #tpu.memory_space<vmem>>, vector<1x1xf32>
    %get3A_154 = vector.extract %get3A_153[0, 0] : f32 from vector<1x1xf32>
    %mul3A_155 = vector.broadcast %get3A_154 : f32 to vector<8x128xf32>
    %mul3A_156 = arith.mulf %get3A_150, %mul3A_155 : vector<8x128xf32>
    %add3A_157 = arith.addf %add3A_147, %mul3A_156 : vector<8x128xf32>
    %get3A_158 = arith.constant 128 : index
    %get3A_159 = arith.constant 0 : index
    %get3A_160 = vector.load %arg0[%get3A_158, %get3A_159] : memref<512x128xf32, #tpu.memory_space<vmem>>, vector<8x128xf32>
    %get3A_161 = arith.constant 0 : index
    %get3A_162 = arith.constant 16 : index
    %get3A_163 = vector.load %arg1[%get3A_161, %get3A_162] : memref<1x128xf32, #tpu.memory_space<vmem>>, vector<1x1xf32>
    %get3A_164 = vector.extract %get3A_163[0, 0] : f32 from vector<1x1xf32>
    %mul3A_165 = vector.broadcast %get3A_164 : f32 to vector<8x128xf32>
    %mul3A_166 = arith.mulf %get3A_160, %mul3A_165 : vector<8x128xf32>
    %add3A_167 = arith.addf %add3A_157, %mul3A_166 : vector<8x128xf32>
    %get3A_168 = arith.constant 136 : index
    %get3A_169 = arith.constant 0 : index
    %get3A_170 = vector.load %arg0[%get3A_168, %get3A_169] : memref<512x128xf32, #tpu.memory_space<vmem>>, vector<8x128xf32>
    %get3A_171 = arith.constant 0 : index
    %get3A_172 = arith.constant 17 : index
    %get3A_173 = vector.load %arg1[%get3A_171, %get3A_172] : memref<1x128xf32, #tpu.memory_space<vmem>>, vector<1x1xf32>
    %get3A_174 = vector.extract %get3A_173[0, 0] : f32 from vector<1x1xf32>
    %mul3A_175 = vector.broadcast %get3A_174 : f32 to vector<8x128xf32>
    %mul3A_176 = arith.mulf %get3A_170, %mul3A_175 : vector<8x128xf32>
    %add3A_177 = arith.addf %add3A_167, %mul3A_176 : vector<8x128xf32>
    %get3A_178 = arith.constant 144 : index
    %get3A_179 = arith.constant 0 : index
    %get3A_180 = vector.load %arg0[%get3A_178, %get3A_179] : memref<512x128xf32, #tpu.memory_space<vmem>>, vector<8x128xf32>
    %get3A_181 = arith.constant 0 : index
    %get3A_182 = arith.constant 18 : index
    %get3A_183 = vector.load %arg1[%get3A_181, %get3A_182] : memref<1x128xf32, #tpu.memory_space<vmem>>, vector<1x1xf32>
    %get3A_184 = vector.extract %get3A_183[0, 0] : f32 from vector<1x1xf32>
    %mul3A_185 = vector.broadcast %get3A_184 : f32 to vector<8x128xf32>
    %mul3A_186 = arith.mulf %get3A_180, %mul3A_185 : vector<8x128xf32>
    %add3A_187 = arith.addf %add3A_177, %mul3A_186 : vector<8x128xf32>
    %get3A_188 = arith.constant 152 : index
    %get3A_189 = arith.constant 0 : index
    %get3A_190 = vector.load %arg0[%get3A_188, %get3A_189] : memref<512x128xf32, #tpu.memory_space<vmem>>, vector<8x128xf32>
    %get3A_191 = arith.constant 0 : index
    %get3A_192 = arith.constant 19 : index
    %get3A_193 = vector.load %arg1[%get3A_191, %get3A_192] : memref<1x128xf32, #tpu.memory_space<vmem>>, vector<1x1xf32>
    %get3A_194 = vector.extract %get3A_193[0, 0] : f32 from vector<1x1xf32>
    %mul3A_195 = vector.broadcast %get3A_194 : f32 to vector<8x128xf32>
    %mul3A_196 = arith.mulf %get3A_190, %mul3A_195 : vector<8x128xf32>
    %add3A_197 = arith.addf %add3A_187, %mul3A_196 : vector<8x128xf32>
    %get3A_198 = arith.constant 160 : index
    %get3A_199 = arith.constant 0 : index
    %get3A_200 = vector.load %arg0[%get3A_198, %get3A_199] : memref<512x128xf32, #tpu.memory_space<vmem>>, vector<8x128xf32>
    %get3A_201 = arith.constant 0 : index
    %get3A_202 = arith.constant 20 : index
    %get3A_203 = vector.load %arg1[%get3A_201, %get3A_202] : memref<1x128xf32, #tpu.memory_space<vmem>>, vector<1x1xf32>
    %get3A_204 = vector.extract %get3A_203[0, 0] : f32 from vector<1x1xf32>
    %mul3A_205 = vector.broadcast %get3A_204 : f32 to vector<8x128xf32>
    %mul3A_206 = arith.mulf %get3A_200, %mul3A_205 : vector<8x128xf32>
    %add3A_207 = arith.addf %add3A_197, %mul3A_206 : vector<8x128xf32>
    %get3A_208 = arith.constant 168 : index
    %get3A_209 = arith.constant 0 : index
    %get3A_210 = vector.load %arg0[%get3A_208, %get3A_209] : memref<512x128xf32, #tpu.memory_space<vmem>>, vector<8x128xf32>
    %get3A_211 = arith.constant 0 : index
    %get3A_212 = arith.constant 21 : index
    %get3A_213 = vector.load %arg1[%get3A_211, %get3A_212] : memref<1x128xf32, #tpu.memory_space<vmem>>, vector<1x1xf32>
    %get3A_214 = vector.extract %get3A_213[0, 0] : f32 from vector<1x1xf32>
    %mul3A_215 = vector.broadcast %get3A_214 : f32 to vector<8x128xf32>
    %mul3A_216 = arith.mulf %get3A_210, %mul3A_215 : vector<8x128xf32>
    %add3A_217 = arith.addf %add3A_207, %mul3A_216 : vector<8x128xf32>
    %get3A_218 = arith.constant 176 : index
    %get3A_219 = arith.constant 0 : index
    %get3A_220 = vector.load %arg0[%get3A_218, %get3A_219] : memref<512x128xf32, #tpu.memory_space<vmem>>, vector<8x128xf32>
    %get3A_221 = arith.constant 0 : index
    %get3A_222 = arith.constant 22 : index
    %get3A_223 = vector.load %arg1[%get3A_221, %get3A_222] : memref<1x128xf32, #tpu.memory_space<vmem>>, vector<1x1xf32>
    %get3A_224 = vector.extract %get3A_223[0, 0] : f32 from vector<1x1xf32>
    %mul3A_225 = vector.broadcast %get3A_224 : f32 to vector<8x128xf32>
    %mul3A_226 = arith.mulf %get3A_220, %mul3A_225 : vector<8x128xf32>
    %add3A_227 = arith.addf %add3A_217, %mul3A_226 : vector<8x128xf32>
    %get3A_228 = arith.constant 184 : index
    %get3A_229 = arith.constant 0 : index
    %get3A_230 = vector.load %arg0[%get3A_228, %get3A_229] : memref<512x128xf32, #tpu.memory_space<vmem>>, vector<8x128xf32>
    %get3A_231 = arith.constant 0 : index
    %get3A_232 = arith.constant 23 : index
    %get3A_233 = vector.load %arg1[%get3A_231, %get3A_232] : memref<1x128xf32, #tpu.memory_space<vmem>>, vector<1x1xf32>
    %get3A_234 = vector.extract %get3A_233[0, 0] : f32 from vector<1x1xf32>
    %mul3A_235 = vector.broadcast %get3A_234 : f32 to vector<8x128xf32>
    %mul3A_236 = arith.mulf %get3A_230, %mul3A_235 : vector<8x128xf32>
    %add3A_237 = arith.addf %add3A_227, %mul3A_236 : vector<8x128xf32>
    %get3A_238 = arith.constant 192 : index
    %get3A_239 = arith.constant 0 : index
    %get3A_240 = vector.load %arg0[%get3A_238, %get3A_239] : memref<512x128xf32, #tpu.memory_space<vmem>>, vector<8x128xf32>
    %get3A_241 = arith.constant 0 : index
    %get3A_242 = arith.constant 24 : index
    %get3A_243 = vector.load %arg1[%get3A_241, %get3A_242] : memref<1x128xf32, #tpu.memory_space<vmem>>, vector<1x1xf32>
    %get3A_244 = vector.extract %get3A_243[0, 0] : f32 from vector<1x1xf32>
    %mul3A_245 = vector.broadcast %get3A_244 : f32 to vector<8x128xf32>
    %mul3A_246 = arith.mulf %get3A_240, %mul3A_245 : vector<8x128xf32>
    %add3A_247 = arith.addf %add3A_237, %mul3A_246 : vector<8x128xf32>
    %get3A_248 = arith.constant 200 : index
    %get3A_249 = arith.constant 0 : index
    %get3A_250 = vector.load %arg0[%get3A_248, %get3A_249] : memref<512x128xf32, #tpu.memory_space<vmem>>, vector<8x128xf32>
    %get3A_251 = arith.constant 0 : index
    %get3A_252 = arith.constant 25 : index
    %get3A_253 = vector.load %arg1[%get3A_251, %get3A_252] : memref<1x128xf32, #tpu.memory_space<vmem>>, vector<1x1xf32>
    %get3A_254 = vector.extract %get3A_253[0, 0] : f32 from vector<1x1xf32>
    %mul3A_255 = vector.broadcast %get3A_254 : f32 to vector<8x128xf32>
    %mul3A_256 = arith.mulf %get3A_250, %mul3A_255 : vector<8x128xf32>
    %add3A_257 = arith.addf %add3A_247, %mul3A_256 : vector<8x128xf32>
    %get3A_258 = arith.constant 208 : index
    %get3A_259 = arith.constant 0 : index
    %get3A_260 = vector.load %arg0[%get3A_258, %get3A_259] : memref<512x128xf32, #tpu.memory_space<vmem>>, vector<8x128xf32>
    %get3A_261 = arith.constant 0 : index
    %get3A_262 = arith.constant 26 : index
    %get3A_263 = vector.load %arg1[%get3A_261, %get3A_262] : memref<1x128xf32, #tpu.memory_space<vmem>>, vector<1x1xf32>
    %get3A_264 = vector.extract %get3A_263[0, 0] : f32 from vector<1x1xf32>
    %mul3A_265 = vector.broadcast %get3A_264 : f32 to vector<8x128xf32>
    %mul3A_266 = arith.mulf %get3A_260, %mul3A_265 : vector<8x128xf32>
    %add3A_267 = arith.addf %add3A_257, %mul3A_266 : vector<8x128xf32>
    %get3A_268 = arith.constant 216 : index
    %get3A_269 = arith.constant 0 : index
    %get3A_270 = vector.load %arg0[%get3A_268, %get3A_269] : memref<512x128xf32, #tpu.memory_space<vmem>>, vector<8x128xf32>
    %get3A_271 = arith.constant 0 : index
    %get3A_272 = arith.constant 27 : index
    %get3A_273 = vector.load %arg1[%get3A_271, %get3A_272] : memref<1x128xf32, #tpu.memory_space<vmem>>, vector<1x1xf32>
    %get3A_274 = vector.extract %get3A_273[0, 0] : f32 from vector<1x1xf32>
    %mul3A_275 = vector.broadcast %get3A_274 : f32 to vector<8x128xf32>
    %mul3A_276 = arith.mulf %get3A_270, %mul3A_275 : vector<8x128xf32>
    %add3A_277 = arith.addf %add3A_267, %mul3A_276 : vector<8x128xf32>
    %get3A_278 = arith.constant 224 : index
    %get3A_279 = arith.constant 0 : index
    %get3A_280 = vector.load %arg0[%get3A_278, %get3A_279] : memref<512x128xf32, #tpu.memory_space<vmem>>, vector<8x128xf32>
    %get3A_281 = arith.constant 0 : index
    %get3A_282 = arith.constant 28 : index
    %get3A_283 = vector.load %arg1[%get3A_281, %get3A_282] : memref<1x128xf32, #tpu.memory_space<vmem>>, vector<1x1xf32>
    %get3A_284 = vector.extract %get3A_283[0, 0] : f32 from vector<1x1xf32>
    %mul3A_285 = vector.broadcast %get3A_284 : f32 to vector<8x128xf32>
    %mul3A_286 = arith.mulf %get3A_280, %mul3A_285 : vector<8x128xf32>
    %add3A_287 = arith.addf %add3A_277, %mul3A_286 : vector<8x128xf32>
    %get3A_288 = arith.constant 232 : index
    %get3A_289 = arith.constant 0 : index
    %get3A_290 = vector.load %arg0[%get3A_288, %get3A_289] : memref<512x128xf32, #tpu.memory_space<vmem>>, vector<8x128xf32>
    %get3A_291 = arith.constant 0 : index
    %get3A_292 = arith.constant 29 : index
    %get3A_293 = vector.load %arg1[%get3A_291, %get3A_292] : memref<1x128xf32, #tpu.memory_space<vmem>>, vector<1x1xf32>
    %get3A_294 = vector.extract %get3A_293[0, 0] : f32 from vector<1x1xf32>
    %mul3A_295 = vector.broadcast %get3A_294 : f32 to vector<8x128xf32>
    %mul3A_296 = arith.mulf %get3A_290, %mul3A_295 : vector<8x128xf32>
    %add3A_297 = arith.addf %add3A_287, %mul3A_296 : vector<8x128xf32>
    %get3A_298 = arith.constant 240 : index
    %get3A_299 = arith.constant 0 : index
    %get3A_300 = vector.load %arg0[%get3A_298, %get3A_299] : memref<512x128xf32, #tpu.memory_space<vmem>>, vector<8x128xf32>
    %get3A_301 = arith.constant 0 : index
    %get3A_302 = arith.constant 30 : index
    %get3A_303 = vector.load %arg1[%get3A_301, %get3A_302] : memref<1x128xf32, #tpu.memory_space<vmem>>, vector<1x1xf32>
    %get3A_304 = vector.extract %get3A_303[0, 0] : f32 from vector<1x1xf32>
    %mul3A_305 = vector.broadcast %get3A_304 : f32 to vector<8x128xf32>
    %mul3A_306 = arith.mulf %get3A_300, %mul3A_305 : vector<8x128xf32>
    %add3A_307 = arith.addf %add3A_297, %mul3A_306 : vector<8x128xf32>
    %get3A_308 = arith.constant 248 : index
    %get3A_309 = arith.constant 0 : index
    %get3A_310 = vector.load %arg0[%get3A_308, %get3A_309] : memref<512x128xf32, #tpu.memory_space<vmem>>, vector<8x128xf32>
    %get3A_311 = arith.constant 0 : index
    %get3A_312 = arith.constant 31 : index
    %get3A_313 = vector.load %arg1[%get3A_311, %get3A_312] : memref<1x128xf32, #tpu.memory_space<vmem>>, vector<1x1xf32>
    %get3A_314 = vector.extract %get3A_313[0, 0] : f32 from vector<1x1xf32>
    %mul3A_315 = vector.broadcast %get3A_314 : f32 to vector<8x128xf32>
    %mul3A_316 = arith.mulf %get3A_310, %mul3A_315 : vector<8x128xf32>
    %add3A_317 = arith.addf %add3A_307, %mul3A_316 : vector<8x128xf32>
    %get3A_318 = arith.constant 256 : index
    %get3A_319 = arith.constant 0 : index
    %get3A_320 = vector.load %arg0[%get3A_318, %get3A_319] : memref<512x128xf32, #tpu.memory_space<vmem>>, vector<8x128xf32>
    %get3A_321 = arith.constant 0 : index
    %get3A_322 = arith.constant 32 : index
    %get3A_323 = vector.load %arg1[%get3A_321, %get3A_322] : memref<1x128xf32, #tpu.memory_space<vmem>>, vector<1x1xf32>
    %get3A_324 = vector.extract %get3A_323[0, 0] : f32 from vector<1x1xf32>
    %mul3A_325 = vector.broadcast %get3A_324 : f32 to vector<8x128xf32>
    %mul3A_326 = arith.mulf %get3A_320, %mul3A_325 : vector<8x128xf32>
    %add3A_327 = arith.addf %add3A_317, %mul3A_326 : vector<8x128xf32>
    %get3A_328 = arith.constant 264 : index
    %get3A_329 = arith.constant 0 : index
    %get3A_330 = vector.load %arg0[%get3A_328, %get3A_329] : memref<512x128xf32, #tpu.memory_space<vmem>>, vector<8x128xf32>
    %get3A_331 = arith.constant 0 : index
    %get3A_332 = arith.constant 33 : index
    %get3A_333 = vector.load %arg1[%get3A_331, %get3A_332] : memref<1x128xf32, #tpu.memory_space<vmem>>, vector<1x1xf32>
    %get3A_334 = vector.extract %get3A_333[0, 0] : f32 from vector<1x1xf32>
    %mul3A_335 = vector.broadcast %get3A_334 : f32 to vector<8x128xf32>
    %mul3A_336 = arith.mulf %get3A_330, %mul3A_335 : vector<8x128xf32>
    %add3A_337 = arith.addf %add3A_327, %mul3A_336 : vector<8x128xf32>
    %get3A_338 = arith.constant 272 : index
    %get3A_339 = arith.constant 0 : index
    %get3A_340 = vector.load %arg0[%get3A_338, %get3A_339] : memref<512x128xf32, #tpu.memory_space<vmem>>, vector<8x128xf32>
    %get3A_341 = arith.constant 0 : index
    %get3A_342 = arith.constant 34 : index
    %get3A_343 = vector.load %arg1[%get3A_341, %get3A_342] : memref<1x128xf32, #tpu.memory_space<vmem>>, vector<1x1xf32>
    %get3A_344 = vector.extract %get3A_343[0, 0] : f32 from vector<1x1xf32>
    %mul3A_345 = vector.broadcast %get3A_344 : f32 to vector<8x128xf32>
    %mul3A_346 = arith.mulf %get3A_340, %mul3A_345 : vector<8x128xf32>
    %add3A_347 = arith.addf %add3A_337, %mul3A_346 : vector<8x128xf32>
    %get3A_348 = arith.constant 280 : index
    %get3A_349 = arith.constant 0 : index
    %get3A_350 = vector.load %arg0[%get3A_348, %get3A_349] : memref<512x128xf32, #tpu.memory_space<vmem>>, vector<8x128xf32>
    %get3A_351 = arith.constant 0 : index
    %get3A_352 = arith.constant 35 : index
    %get3A_353 = vector.load %arg1[%get3A_351, %get3A_352] : memref<1x128xf32, #tpu.memory_space<vmem>>, vector<1x1xf32>
    %get3A_354 = vector.extract %get3A_353[0, 0] : f32 from vector<1x1xf32>
    %mul3A_355 = vector.broadcast %get3A_354 : f32 to vector<8x128xf32>
    %mul3A_356 = arith.mulf %get3A_350, %mul3A_355 : vector<8x128xf32>
    %add3A_357 = arith.addf %add3A_347, %mul3A_356 : vector<8x128xf32>
    %get3A_358 = arith.constant 288 : index
    %get3A_359 = arith.constant 0 : index
    %get3A_360 = vector.load %arg0[%get3A_358, %get3A_359] : memref<512x128xf32, #tpu.memory_space<vmem>>, vector<8x128xf32>
    %get3A_361 = arith.constant 0 : index
    %get3A_362 = arith.constant 36 : index
    %get3A_363 = vector.load %arg1[%get3A_361, %get3A_362] : memref<1x128xf32, #tpu.memory_space<vmem>>, vector<1x1xf32>
    %get3A_364 = vector.extract %get3A_363[0, 0] : f32 from vector<1x1xf32>
    %mul3A_365 = vector.broadcast %get3A_364 : f32 to vector<8x128xf32>
    %mul3A_366 = arith.mulf %get3A_360, %mul3A_365 : vector<8x128xf32>
    %add3A_367 = arith.addf %add3A_357, %mul3A_366 : vector<8x128xf32>
    %get3A_368 = arith.constant 296 : index
    %get3A_369 = arith.constant 0 : index
    %get3A_370 = vector.load %arg0[%get3A_368, %get3A_369] : memref<512x128xf32, #tpu.memory_space<vmem>>, vector<8x128xf32>
    %get3A_371 = arith.constant 0 : index
    %get3A_372 = arith.constant 37 : index
    %get3A_373 = vector.load %arg1[%get3A_371, %get3A_372] : memref<1x128xf32, #tpu.memory_space<vmem>>, vector<1x1xf32>
    %get3A_374 = vector.extract %get3A_373[0, 0] : f32 from vector<1x1xf32>
    %mul3A_375 = vector.broadcast %get3A_374 : f32 to vector<8x128xf32>
    %mul3A_376 = arith.mulf %get3A_370, %mul3A_375 : vector<8x128xf32>
    %add3A_377 = arith.addf %add3A_367, %mul3A_376 : vector<8x128xf32>
    %get3A_378 = arith.constant 304 : index
    %get3A_379 = arith.constant 0 : index
    %get3A_380 = vector.load %arg0[%get3A_378, %get3A_379] : memref<512x128xf32, #tpu.memory_space<vmem>>, vector<8x128xf32>
    %get3A_381 = arith.constant 0 : index
    %get3A_382 = arith.constant 38 : index
    %get3A_383 = vector.load %arg1[%get3A_381, %get3A_382] : memref<1x128xf32, #tpu.memory_space<vmem>>, vector<1x1xf32>
    %get3A_384 = vector.extract %get3A_383[0, 0] : f32 from vector<1x1xf32>
    %mul3A_385 = vector.broadcast %get3A_384 : f32 to vector<8x128xf32>
    %mul3A_386 = arith.mulf %get3A_380, %mul3A_385 : vector<8x128xf32>
    %add3A_387 = arith.addf %add3A_377, %mul3A_386 : vector<8x128xf32>
    %get3A_388 = arith.constant 312 : index
    %get3A_389 = arith.constant 0 : index
    %get3A_390 = vector.load %arg0[%get3A_388, %get3A_389] : memref<512x128xf32, #tpu.memory_space<vmem>>, vector<8x128xf32>
    %get3A_391 = arith.constant 0 : index
    %get3A_392 = arith.constant 39 : index
    %get3A_393 = vector.load %arg1[%get3A_391, %get3A_392] : memref<1x128xf32, #tpu.memory_space<vmem>>, vector<1x1xf32>
    %get3A_394 = vector.extract %get3A_393[0, 0] : f32 from vector<1x1xf32>
    %mul3A_395 = vector.broadcast %get3A_394 : f32 to vector<8x128xf32>
    %mul3A_396 = arith.mulf %get3A_390, %mul3A_395 : vector<8x128xf32>
    %add3A_397 = arith.addf %add3A_387, %mul3A_396 : vector<8x128xf32>
    %get3A_398 = arith.constant 320 : index
    %get3A_399 = arith.constant 0 : index
    %get3A_400 = vector.load %arg0[%get3A_398, %get3A_399] : memref<512x128xf32, #tpu.memory_space<vmem>>, vector<8x128xf32>
    %get3A_401 = arith.constant 0 : index
    %get3A_402 = arith.constant 40 : index
    %get3A_403 = vector.load %arg1[%get3A_401, %get3A_402] : memref<1x128xf32, #tpu.memory_space<vmem>>, vector<1x1xf32>
    %get3A_404 = vector.extract %get3A_403[0, 0] : f32 from vector<1x1xf32>
    %mul3A_405 = vector.broadcast %get3A_404 : f32 to vector<8x128xf32>
    %mul3A_406 = arith.mulf %get3A_400, %mul3A_405 : vector<8x128xf32>
    %add3A_407 = arith.addf %add3A_397, %mul3A_406 : vector<8x128xf32>
    %get3A_408 = arith.constant 328 : index
    %get3A_409 = arith.constant 0 : index
    %get3A_410 = vector.load %arg0[%get3A_408, %get3A_409] : memref<512x128xf32, #tpu.memory_space<vmem>>, vector<8x128xf32>
    %get3A_411 = arith.constant 0 : index
    %get3A_412 = arith.constant 41 : index
    %get3A_413 = vector.load %arg1[%get3A_411, %get3A_412] : memref<1x128xf32, #tpu.memory_space<vmem>>, vector<1x1xf32>
    %get3A_414 = vector.extract %get3A_413[0, 0] : f32 from vector<1x1xf32>
    %mul3A_415 = vector.broadcast %get3A_414 : f32 to vector<8x128xf32>
    %mul3A_416 = arith.mulf %get3A_410, %mul3A_415 : vector<8x128xf32>
    %add3A_417 = arith.addf %add3A_407, %mul3A_416 : vector<8x128xf32>
    %get3A_418 = arith.constant 336 : index
    %get3A_419 = arith.constant 0 : index
    %get3A_420 = vector.load %arg0[%get3A_418, %get3A_419] : memref<512x128xf32, #tpu.memory_space<vmem>>, vector<8x128xf32>
    %get3A_421 = arith.constant 0 : index
    %get3A_422 = arith.constant 42 : index
    %get3A_423 = vector.load %arg1[%get3A_421, %get3A_422] : memref<1x128xf32, #tpu.memory_space<vmem>>, vector<1x1xf32>
    %get3A_424 = vector.extract %get3A_423[0, 0] : f32 from vector<1x1xf32>
    %mul3A_425 = vector.broadcast %get3A_424 : f32 to vector<8x128xf32>
    %mul3A_426 = arith.mulf %get3A_420, %mul3A_425 : vector<8x128xf32>
    %add3A_427 = arith.addf %add3A_417, %mul3A_426 : vector<8x128xf32>
    %get3A_428 = arith.constant 344 : index
    %get3A_429 = arith.constant 0 : index
    %get3A_430 = vector.load %arg0[%get3A_428, %get3A_429] : memref<512x128xf32, #tpu.memory_space<vmem>>, vector<8x128xf32>
    %get3A_431 = arith.constant 0 : index
    %get3A_432 = arith.constant 43 : index
    %get3A_433 = vector.load %arg1[%get3A_431, %get3A_432] : memref<1x128xf32, #tpu.memory_space<vmem>>, vector<1x1xf32>
    %get3A_434 = vector.extract %get3A_433[0, 0] : f32 from vector<1x1xf32>
    %mul3A_435 = vector.broadcast %get3A_434 : f32 to vector<8x128xf32>
    %mul3A_436 = arith.mulf %get3A_430, %mul3A_435 : vector<8x128xf32>
    %add3A_437 = arith.addf %add3A_427, %mul3A_436 : vector<8x128xf32>
    %get3A_438 = arith.constant 352 : index
    %get3A_439 = arith.constant 0 : index
    %get3A_440 = vector.load %arg0[%get3A_438, %get3A_439] : memref<512x128xf32, #tpu.memory_space<vmem>>, vector<8x128xf32>
    %get3A_441 = arith.constant 0 : index
    %get3A_442 = arith.constant 44 : index
    %get3A_443 = vector.load %arg1[%get3A_441, %get3A_442] : memref<1x128xf32, #tpu.memory_space<vmem>>, vector<1x1xf32>
    %get3A_444 = vector.extract %get3A_443[0, 0] : f32 from vector<1x1xf32>
    %mul3A_445 = vector.broadcast %get3A_444 : f32 to vector<8x128xf32>
    %mul3A_446 = arith.mulf %get3A_440, %mul3A_445 : vector<8x128xf32>
    %add3A_447 = arith.addf %add3A_437, %mul3A_446 : vector<8x128xf32>
    %get3A_448 = arith.constant 360 : index
    %get3A_449 = arith.constant 0 : index
    %get3A_450 = vector.load %arg0[%get3A_448, %get3A_449] : memref<512x128xf32, #tpu.memory_space<vmem>>, vector<8x128xf32>
    %get3A_451 = arith.constant 0 : index
    %get3A_452 = arith.constant 45 : index
    %get3A_453 = vector.load %arg1[%get3A_451, %get3A_452] : memref<1x128xf32, #tpu.memory_space<vmem>>, vector<1x1xf32>
    %get3A_454 = vector.extract %get3A_453[0, 0] : f32 from vector<1x1xf32>
    %mul3A_455 = vector.broadcast %get3A_454 : f32 to vector<8x128xf32>
    %mul3A_456 = arith.mulf %get3A_450, %mul3A_455 : vector<8x128xf32>
    %add3A_457 = arith.addf %add3A_447, %mul3A_456 : vector<8x128xf32>
    %get3A_458 = arith.constant 368 : index
    %get3A_459 = arith.constant 0 : index
    %get3A_460 = vector.load %arg0[%get3A_458, %get3A_459] : memref<512x128xf32, #tpu.memory_space<vmem>>, vector<8x128xf32>
    %get3A_461 = arith.constant 0 : index
    %get3A_462 = arith.constant 46 : index
    %get3A_463 = vector.load %arg1[%get3A_461, %get3A_462] : memref<1x128xf32, #tpu.memory_space<vmem>>, vector<1x1xf32>
    %get3A_464 = vector.extract %get3A_463[0, 0] : f32 from vector<1x1xf32>
    %mul3A_465 = vector.broadcast %get3A_464 : f32 to vector<8x128xf32>
    %mul3A_466 = arith.mulf %get3A_460, %mul3A_465 : vector<8x128xf32>
    %add3A_467 = arith.addf %add3A_457, %mul3A_466 : vector<8x128xf32>
    %get3A_468 = arith.constant 376 : index
    %get3A_469 = arith.constant 0 : index
    %get3A_470 = vector.load %arg0[%get3A_468, %get3A_469] : memref<512x128xf32, #tpu.memory_space<vmem>>, vector<8x128xf32>
    %get3A_471 = arith.constant 0 : index
    %get3A_472 = arith.constant 47 : index
    %get3A_473 = vector.load %arg1[%get3A_471, %get3A_472] : memref<1x128xf32, #tpu.memory_space<vmem>>, vector<1x1xf32>
    %get3A_474 = vector.extract %get3A_473[0, 0] : f32 from vector<1x1xf32>
    %mul3A_475 = vector.broadcast %get3A_474 : f32 to vector<8x128xf32>
    %mul3A_476 = arith.mulf %get3A_470, %mul3A_475 : vector<8x128xf32>
    %add3A_477 = arith.addf %add3A_467, %mul3A_476 : vector<8x128xf32>
    %get3A_478 = arith.constant 384 : index
    %get3A_479 = arith.constant 0 : index
    %get3A_480 = vector.load %arg0[%get3A_478, %get3A_479] : memref<512x128xf32, #tpu.memory_space<vmem>>, vector<8x128xf32>
    %get3A_481 = arith.constant 0 : index
    %get3A_482 = arith.constant 48 : index
    %get3A_483 = vector.load %arg1[%get3A_481, %get3A_482] : memref<1x128xf32, #tpu.memory_space<vmem>>, vector<1x1xf32>
    %get3A_484 = vector.extract %get3A_483[0, 0] : f32 from vector<1x1xf32>
    %mul3A_485 = vector.broadcast %get3A_484 : f32 to vector<8x128xf32>
    %mul3A_486 = arith.mulf %get3A_480, %mul3A_485 : vector<8x128xf32>
    %add3A_487 = arith.addf %add3A_477, %mul3A_486 : vector<8x128xf32>
    %get3A_488 = arith.constant 392 : index
    %get3A_489 = arith.constant 0 : index
    %get3A_490 = vector.load %arg0[%get3A_488, %get3A_489] : memref<512x128xf32, #tpu.memory_space<vmem>>, vector<8x128xf32>
    %get3A_491 = arith.constant 0 : index
    %get3A_492 = arith.constant 49 : index
    %get3A_493 = vector.load %arg1[%get3A_491, %get3A_492] : memref<1x128xf32, #tpu.memory_space<vmem>>, vector<1x1xf32>
    %get3A_494 = vector.extract %get3A_493[0, 0] : f32 from vector<1x1xf32>
    %mul3A_495 = vector.broadcast %get3A_494 : f32 to vector<8x128xf32>
    %mul3A_496 = arith.mulf %get3A_490, %mul3A_495 : vector<8x128xf32>
    %add3A_497 = arith.addf %add3A_487, %mul3A_496 : vector<8x128xf32>
    %get3A_498 = arith.constant 400 : index
    %get3A_499 = arith.constant 0 : index
    %get3A_500 = vector.load %arg0[%get3A_498, %get3A_499] : memref<512x128xf32, #tpu.memory_space<vmem>>, vector<8x128xf32>
    %get3A_501 = arith.constant 0 : index
    %get3A_502 = arith.constant 50 : index
    %get3A_503 = vector.load %arg1[%get3A_501, %get3A_502] : memref<1x128xf32, #tpu.memory_space<vmem>>, vector<1x1xf32>
    %get3A_504 = vector.extract %get3A_503[0, 0] : f32 from vector<1x1xf32>
    %mul3A_505 = vector.broadcast %get3A_504 : f32 to vector<8x128xf32>
    %mul3A_506 = arith.mulf %get3A_500, %mul3A_505 : vector<8x128xf32>
    %add3A_507 = arith.addf %add3A_497, %mul3A_506 : vector<8x128xf32>
    %get3A_508 = arith.constant 408 : index
    %get3A_509 = arith.constant 0 : index
    %get3A_510 = vector.load %arg0[%get3A_508, %get3A_509] : memref<512x128xf32, #tpu.memory_space<vmem>>, vector<8x128xf32>
    %get3A_511 = arith.constant 0 : index
    %get3A_512 = arith.constant 51 : index
    %get3A_513 = vector.load %arg1[%get3A_511, %get3A_512] : memref<1x128xf32, #tpu.memory_space<vmem>>, vector<1x1xf32>
    %get3A_514 = vector.extract %get3A_513[0, 0] : f32 from vector<1x1xf32>
    %mul3A_515 = vector.broadcast %get3A_514 : f32 to vector<8x128xf32>
    %mul3A_516 = arith.mulf %get3A_510, %mul3A_515 : vector<8x128xf32>
    %add3A_517 = arith.addf %add3A_507, %mul3A_516 : vector<8x128xf32>
    %get3A_518 = arith.constant 416 : index
    %get3A_519 = arith.constant 0 : index
    %get3A_520 = vector.load %arg0[%get3A_518, %get3A_519] : memref<512x128xf32, #tpu.memory_space<vmem>>, vector<8x128xf32>
    %get3A_521 = arith.constant 0 : index
    %get3A_522 = arith.constant 52 : index
    %get3A_523 = vector.load %arg1[%get3A_521, %get3A_522] : memref<1x128xf32, #tpu.memory_space<vmem>>, vector<1x1xf32>
    %get3A_524 = vector.extract %get3A_523[0, 0] : f32 from vector<1x1xf32>
    %mul3A_525 = vector.broadcast %get3A_524 : f32 to vector<8x128xf32>
    %mul3A_526 = arith.mulf %get3A_520, %mul3A_525 : vector<8x128xf32>
    %add3A_527 = arith.addf %add3A_517, %mul3A_526 : vector<8x128xf32>
    %get3A_528 = arith.constant 424 : index
    %get3A_529 = arith.constant 0 : index
    %get3A_530 = vector.load %arg0[%get3A_528, %get3A_529] : memref<512x128xf32, #tpu.memory_space<vmem>>, vector<8x128xf32>
    %get3A_531 = arith.constant 0 : index
    %get3A_532 = arith.constant 53 : index
    %get3A_533 = vector.load %arg1[%get3A_531, %get3A_532] : memref<1x128xf32, #tpu.memory_space<vmem>>, vector<1x1xf32>
    %get3A_534 = vector.extract %get3A_533[0, 0] : f32 from vector<1x1xf32>
    %mul3A_535 = vector.broadcast %get3A_534 : f32 to vector<8x128xf32>
    %mul3A_536 = arith.mulf %get3A_530, %mul3A_535 : vector<8x128xf32>
    %add3A_537 = arith.addf %add3A_527, %mul3A_536 : vector<8x128xf32>
    %get3A_538 = arith.constant 432 : index
    %get3A_539 = arith.constant 0 : index
    %get3A_540 = vector.load %arg0[%get3A_538, %get3A_539] : memref<512x128xf32, #tpu.memory_space<vmem>>, vector<8x128xf32>
    %get3A_541 = arith.constant 0 : index
    %get3A_542 = arith.constant 54 : index
    %get3A_543 = vector.load %arg1[%get3A_541, %get3A_542] : memref<1x128xf32, #tpu.memory_space<vmem>>, vector<1x1xf32>
    %get3A_544 = vector.extract %get3A_543[0, 0] : f32 from vector<1x1xf32>
    %mul3A_545 = vector.broadcast %get3A_544 : f32 to vector<8x128xf32>
    %mul3A_546 = arith.mulf %get3A_540, %mul3A_545 : vector<8x128xf32>
    %add3A_547 = arith.addf %add3A_537, %mul3A_546 : vector<8x128xf32>
    %get3A_548 = arith.constant 440 : index
    %get3A_549 = arith.constant 0 : index
    %get3A_550 = vector.load %arg0[%get3A_548, %get3A_549] : memref<512x128xf32, #tpu.memory_space<vmem>>, vector<8x128xf32>
    %get3A_551 = arith.constant 0 : index
    %get3A_552 = arith.constant 55 : index
    %get3A_553 = vector.load %arg1[%get3A_551, %get3A_552] : memref<1x128xf32, #tpu.memory_space<vmem>>, vector<1x1xf32>
    %get3A_554 = vector.extract %get3A_553[0, 0] : f32 from vector<1x1xf32>
    %mul3A_555 = vector.broadcast %get3A_554 : f32 to vector<8x128xf32>
    %mul3A_556 = arith.mulf %get3A_550, %mul3A_555 : vector<8x128xf32>
    %add3A_557 = arith.addf %add3A_547, %mul3A_556 : vector<8x128xf32>
    %get3A_558 = arith.constant 448 : index
    %get3A_559 = arith.constant 0 : index
    %get3A_560 = vector.load %arg0[%get3A_558, %get3A_559] : memref<512x128xf32, #tpu.memory_space<vmem>>, vector<8x128xf32>
    %get3A_561 = arith.constant 0 : index
    %get3A_562 = arith.constant 56 : index
    %get3A_563 = vector.load %arg1[%get3A_561, %get3A_562] : memref<1x128xf32, #tpu.memory_space<vmem>>, vector<1x1xf32>
    %get3A_564 = vector.extract %get3A_563[0, 0] : f32 from vector<1x1xf32>
    %mul3A_565 = vector.broadcast %get3A_564 : f32 to vector<8x128xf32>
    %mul3A_566 = arith.mulf %get3A_560, %mul3A_565 : vector<8x128xf32>
    %add3A_567 = arith.addf %add3A_557, %mul3A_566 : vector<8x128xf32>
    %get3A_568 = arith.constant 456 : index
    %get3A_569 = arith.constant 0 : index
    %get3A_570 = vector.load %arg0[%get3A_568, %get3A_569] : memref<512x128xf32, #tpu.memory_space<vmem>>, vector<8x128xf32>
    %get3A_571 = arith.constant 0 : index
    %get3A_572 = arith.constant 57 : index
    %get3A_573 = vector.load %arg1[%get3A_571, %get3A_572] : memref<1x128xf32, #tpu.memory_space<vmem>>, vector<1x1xf32>
    %get3A_574 = vector.extract %get3A_573[0, 0] : f32 from vector<1x1xf32>
    %mul3A_575 = vector.broadcast %get3A_574 : f32 to vector<8x128xf32>
    %mul3A_576 = arith.mulf %get3A_570, %mul3A_575 : vector<8x128xf32>
    %add3A_577 = arith.addf %add3A_567, %mul3A_576 : vector<8x128xf32>
    %get3A_578 = arith.constant 464 : index
    %get3A_579 = arith.constant 0 : index
    %get3A_580 = vector.load %arg0[%get3A_578, %get3A_579] : memref<512x128xf32, #tpu.memory_space<vmem>>, vector<8x128xf32>
    %get3A_581 = arith.constant 0 : index
    %get3A_582 = arith.constant 58 : index
    %get3A_583 = vector.load %arg1[%get3A_581, %get3A_582] : memref<1x128xf32, #tpu.memory_space<vmem>>, vector<1x1xf32>
    %get3A_584 = vector.extract %get3A_583[0, 0] : f32 from vector<1x1xf32>
    %mul3A_585 = vector.broadcast %get3A_584 : f32 to vector<8x128xf32>
    %mul3A_586 = arith.mulf %get3A_580, %mul3A_585 : vector<8x128xf32>
    %add3A_587 = arith.addf %add3A_577, %mul3A_586 : vector<8x128xf32>
    %get3A_588 = arith.constant 472 : index
    %get3A_589 = arith.constant 0 : index
    %get3A_590 = vector.load %arg0[%get3A_588, %get3A_589] : memref<512x128xf32, #tpu.memory_space<vmem>>, vector<8x128xf32>
    %get3A_591 = arith.constant 0 : index
    %get3A_592 = arith.constant 59 : index
    %get3A_593 = vector.load %arg1[%get3A_591, %get3A_592] : memref<1x128xf32, #tpu.memory_space<vmem>>, vector<1x1xf32>
    %get3A_594 = vector.extract %get3A_593[0, 0] : f32 from vector<1x1xf32>
    %mul3A_595 = vector.broadcast %get3A_594 : f32 to vector<8x128xf32>
    %mul3A_596 = arith.mulf %get3A_590, %mul3A_595 : vector<8x128xf32>
    %add3A_597 = arith.addf %add3A_587, %mul3A_596 : vector<8x128xf32>
    %get3A_598 = arith.constant 480 : index
    %get3A_599 = arith.constant 0 : index
    %get3A_600 = vector.load %arg0[%get3A_598, %get3A_599] : memref<512x128xf32, #tpu.memory_space<vmem>>, vector<8x128xf32>
    %get3A_601 = arith.constant 0 : index
    %get3A_602 = arith.constant 60 : index
    %get3A_603 = vector.load %arg1[%get3A_601, %get3A_602] : memref<1x128xf32, #tpu.memory_space<vmem>>, vector<1x1xf32>
    %get3A_604 = vector.extract %get3A_603[0, 0] : f32 from vector<1x1xf32>
    %mul3A_605 = vector.broadcast %get3A_604 : f32 to vector<8x128xf32>
    %mul3A_606 = arith.mulf %get3A_600, %mul3A_605 : vector<8x128xf32>
    %add3A_607 = arith.addf %add3A_597, %mul3A_606 : vector<8x128xf32>
    %get3A_608 = arith.constant 488 : index
    %get3A_609 = arith.constant 0 : index
    %get3A_610 = vector.load %arg0[%get3A_608, %get3A_609] : memref<512x128xf32, #tpu.memory_space<vmem>>, vector<8x128xf32>
    %get3A_611 = arith.constant 0 : index
    %get3A_612 = arith.constant 61 : index
    %get3A_613 = vector.load %arg1[%get3A_611, %get3A_612] : memref<1x128xf32, #tpu.memory_space<vmem>>, vector<1x1xf32>
    %get3A_614 = vector.extract %get3A_613[0, 0] : f32 from vector<1x1xf32>
    %mul3A_615 = vector.broadcast %get3A_614 : f32 to vector<8x128xf32>
    %mul3A_616 = arith.mulf %get3A_610, %mul3A_615 : vector<8x128xf32>
    %add3A_617 = arith.addf %add3A_607, %mul3A_616 : vector<8x128xf32>
    %get3A_618 = arith.constant 496 : index
    %get3A_619 = arith.constant 0 : index
    %get3A_620 = vector.load %arg0[%get3A_618, %get3A_619] : memref<512x128xf32, #tpu.memory_space<vmem>>, vector<8x128xf32>
    %get3A_621 = arith.constant 0 : index
    %get3A_622 = arith.constant 62 : index
    %get3A_623 = vector.load %arg1[%get3A_621, %get3A_622] : memref<1x128xf32, #tpu.memory_space<vmem>>, vector<1x1xf32>
    %get3A_624 = vector.extract %get3A_623[0, 0] : f32 from vector<1x1xf32>
    %mul3A_625 = vector.broadcast %get3A_624 : f32 to vector<8x128xf32>
    %mul3A_626 = arith.mulf %get3A_620, %mul3A_625 : vector<8x128xf32>
    %add3A_627 = arith.addf %add3A_617, %mul3A_626 : vector<8x128xf32>
    %get3A_628 = arith.constant 504 : index
    %get3A_629 = arith.constant 0 : index
    %get3A_630 = vector.load %arg0[%get3A_628, %get3A_629] : memref<512x128xf32, #tpu.memory_space<vmem>>, vector<8x128xf32>
    %get3A_631 = arith.constant 0 : index
    %get3A_632 = arith.constant 63 : index
    %get3A_633 = vector.load %arg1[%get3A_631, %get3A_632] : memref<1x128xf32, #tpu.memory_space<vmem>>, vector<1x1xf32>
    %get3A_634 = vector.extract %get3A_633[0, 0] : f32 from vector<1x1xf32>
    %mul3A_635 = vector.broadcast %get3A_634 : f32 to vector<8x128xf32>
    %mul3A_636 = arith.mulf %get3A_630, %mul3A_635 : vector<8x128xf32>
    %add3A_637 = arith.addf %add3A_627, %mul3A_636 : vector<8x128xf32>
    %swap3A = arith.constant 0 : index
    %swap3A_638 = arith.constant 0 : index
    %swap3A_639 = vector.load %arg2[%swap3A, %swap3A_638] : memref<8x128xf32, #tpu.memory_space<vmem>>, vector<8x128xf32>
    tpu.vector_store %arg2[%swap3A, %swap3A_638], %add3A_637 {strides = array<i32>} : memref<8x128xf32, #tpu.memory_space<vmem>>, vector<8x128xf32>,
    %bitcast_convert_type3A = tpu.bitcast %add3A_637 : vector<8x128xf32> -> vector<8x128xi32>
    %lt3A = arith.constant 0 : i32
    %lt3A_640 = vector.broadcast %lt3A : i32 to vector<8x128xi32>
    %lt3A_641 = arith.cmpi slt, %bitcast_convert_type3A, %lt3A_640 : vector<8x128xi32>
    %jit3A = arith.constant -1 : i32
    %jit3A_642 = arith.constant -2147483648 : i32
    %broadcast_in_dim3A_643 = vector.broadcast %jit3A : i32 to vector<8x128xi32>
    %broadcast_in_dim3A_644 = vector.broadcast %jit3A_642 : i32 to vector<8x128xi32>
    %select_n3A = arith.select %lt3A_641, %broadcast_in_dim3A_643, %broadcast_in_dim3A_644 : vector<8x128xi1>, vector<8x128xi32>
    %xor3A = arith.xori %bitcast_convert_type3A, %select_n3A : vector<8x128xi32>
    %iota3A = tpu.iota {dimensions = array<i32: 0>} : vector<8x128xi32>
    %iota3A_645 = tpu.iota {dimensions = array<i32: 1>} : vector<8x128xi32>
    %mul3A_646 = arith.constant 128 : i32
    %mul3A_647 = vector.broadcast %mul3A_646 : i32 to vector<8x128xi32>
    %mul3A_648 = arith.muli %iota3A, %mul3A_647 : vector<8x128xi32>
    %add3A_649 = arith.addi %mul3A_648, %iota3A_645 : vector<8x128xi32>
    %lt3A_650 = arith.constant 1000 : i32
    %lt3A_651 = vector.broadcast %lt3A_650 : i32 to vector<8x128xi32>
    %lt3A_652 = arith.cmpi slt, %add3A_649, %lt3A_651 : vector<8x128xi32>
    %jit3A_653 = arith.constant 0 : i32
    %broadcast_in_dim3A_654 = vector.broadcast %jit3A_653 : i32 to vector<8x128xi32>
    %select_n3A_655 = arith.select %lt3A_652, %xor3A, %broadcast_in_dim3A_654 : vector<8x128xi1>, vector<8x128xi32>
    %scan3A = arith.constant 0 : i32
    %scan3A_656 = arith.constant 0 : i32
    %scan3A_657 = arith.constant 32 : i32
    %scan3A_658 = arith.addi %scan3A_656, %scan3A_657 : i32
    %scan3A_659 = arith.constant 1 : i32
    %scan3A_660 = scf.for %scan3A_666 = %scan3A_656 to %scan3A_658 step %scan3A_659 iter_args(%scan3A_667 = %scan3A) -> (i32)  : i32 {
      %sub3A = arith.constant 31 : i32
      %sub3A_668 = arith.subi %sub3A, %scan3A_666 : i32
      %shift_left3A = arith.constant 1 : i32
      %shift_left3A_669 = arith.shli %shift_left3A, %sub3A_668 : i32
      %or3A = arith.ori %scan3A_667, %shift_left3A_669 : i32
      %ge3A = vector.broadcast %or3A : i32 to vector<8x128xi32>
      %ge3A_670 = arith.cmpi uge, %select_n3A_655, %ge3A : vector<8x128xi32>
      %jit3A_671 = arith.constant 1 : i32
      %jit3A_672 = arith.constant 0 : i32
      %broadcast_in_dim3A_673 = vector.broadcast %jit3A_671 : i32 to vector<8x128xi32>
      %broadcast_in_dim3A_674 = vector.broadcast %jit3A_672 : i32 to vector<8x128xi32>
      %select_n3A_675 = arith.select %ge3A_670, %broadcast_in_dim3A_673, %broadcast_in_dim3A_674 : vector<8x128xi1>, vector<8x128xi32>
      %reduce_sum3A = vector.shape_cast %select_n3A_675 : vector<8x128xi32> to vector<1x8x128xi32>
      %reduce_sum3A_676 = arith.constant dense<0> : vector<1xi32>
      %reduce_sum3A_677 = vector.multi_reduction <add>, %reduce_sum3A, %reduce_sum3A_676 [1, 2] : vector<1x8x128xi32> to vector<1xi32>
      %reduce_sum3A_678 = vector.shape_cast %reduce_sum3A_677 : vector<1xi32> to vector<1x1x1xi32>
      %reduce_sum3A_679 = vector.extract %reduce_sum3A_678[0, 0, 0] : i32 from vector<1x1x1xi32>
      %ge3A_680 = arith.constant 100 : i32
      %ge3A_681 = arith.cmpi sge, %reduce_sum3A_679, %ge3A_680 : i32
      %select_n3A_682 = arith.select %ge3A_681, %or3A, %scan3A_667 : i32
      scf.yield %select_n3A_682 : i32
    }
    %scan3A_661 = arith.constant 32 : i32
    %broadcast_in_dim3A_662 = vector.broadcast %scan3A_660 : i32 to vector<1x1xi32>
    %swap3A_663 = arith.constant 0 : index
    %swap3A_664 = arith.constant 0 : index
    %swap3A_665 = vector.load %arg3[%swap3A_663, %swap3A_664] : memref<1x1xi32, #tpu.memory_space<vmem>>, vector<1x1xi32>
    tpu.vector_store %arg3[%swap3A_663, %swap3A_664], %broadcast_in_dim3A_662 {strides = array<i32>} : memref<1x1xi32, #tpu.memory_space<vmem>>, vector<1x1xi32>,
    return
  }
}

module attributes {stable_mosaic.version = 14 : i64} {
  func.func @_scale_kernel(%arg0: memref<100x64xf32, #tpu.memory_space<vmem>>, %arg1: memref<100x1xf32, #tpu.memory_space<vmem>>, %arg2: memref<100x64xf32, #tpu.memory_space<vmem>>) attributes {dimension_semantics = [], scalar_prefetch = 0 : i64, scratch_operands = 0 : i64, tpu.core_type = #tpu.core_type<tc>} {
    %get3A = arith.constant 0 : index
    %get3A_0 = arith.constant 0 : index
    %get3A_1 = vector.load %arg0[%get3A, %get3A_0] : memref<100x64xf32, #tpu.memory_space<vmem>>, vector<100x64xf32>
    %get3A_2 = arith.constant 0 : index
    %get3A_3 = arith.constant 0 : index
    %get3A_4 = vector.load %arg1[%get3A_2, %get3A_3] : memref<100x1xf32, #tpu.memory_space<vmem>>, vector<100x1xf32>
    %tanh3A = math.tanh %get3A_4 : vector<100x1xf32>
    %mul3A = vector.broadcast %tanh3A : vector<100x1xf32> to vector<100x64xf32>
    %mul3A_5 = arith.mulf %get3A_1, %mul3A : vector<100x64xf32>
    %swap3A = arith.constant 0 : index
    %swap3A_6 = arith.constant 0 : index
    %swap3A_7 = vector.load %arg2[%swap3A, %swap3A_6] : memref<100x64xf32, #tpu.memory_space<vmem>>, vector<100x64xf32>
    tpu.vector_store %arg2[%swap3A, %swap3A_6], %mul3A_5 {strides = array<i32>} : memref<100x64xf32, #tpu.memory_space<vmem>>, vector<100x64xf32>,
    return
  }
}

module attributes {stable_mosaic.version = 14 : i64} {
  func.func @_search_kernel(%arg0: memref<512x128xf32, #tpu.memory_space<vmem>>, %arg1: memref<1x128xf32, #tpu.memory_space<vmem>>, %arg2: memref<8x128xf32, #tpu.memory_space<vmem>>, %arg3: memref<1x1xi32, #tpu.memory_space<vmem>>) attributes {dimension_semantics = [], scalar_prefetch = 0 : i64, scratch_operands = 0 : i64, tpu.core_type = #tpu.core_type<tc>} {
    %broadcast_in_dim3A = arith.constant 0.000000e+00 : f32
    %broadcast_in_dim3A_0 = vector.broadcast %broadcast_in_dim3A : f32 to vector<8x128xf32>
    %get3A = arith.constant 0 : index
    %get3A_1 = arith.constant 0 : index
    %get3A_2 = vector.load %arg0[%get3A, %get3A_1] : memref<512x128xf32, #tpu.memory_space<vmem>>, vector<8x128xf32>
    %get3A_3 = arith.constant 0 : index
    %get3A_4 = arith.constant 0 : index
    %get3A_5 = vector.load %arg1[%get3A_3, %get3A_4] : memref<1x128xf32, #tpu.memory_space<vmem>>, vector<1x1xf32>
    %get3A_6 = vector.extract %get3A_5[0, 0] : f32 from vector<1x1xf32>
    %mul3A = vector.broadcast %get3A_6 : f32 to vector<8x128xf32>
    %mul3A_7 = arith.mulf %get3A_2, %mul3A : vector<8x128xf32>
    %add3A = arith.addf %broadcast_in_dim3A_0, %mul3A_7 : vector<8x128xf32>
    %get3A_8 = arith.constant 8 : index
    %get3A_9 = arith.constant 0 : index
    %get3A_10 = vector.load %arg0[%get3A_8, %get3A_9] : memref<512x128xf32, #tpu.memory_space<vmem>>, vector<8x128xf32>
    %get3A_11 = arith.constant 0 : index
    %get3A_12 = arith.constant 1 : index
    %get3A_13 = vector.load %arg1[%get3A_11, %get3A_12] : memref<1x128xf32, #tpu.memory_space<vmem>>, vector<1x1xf32>
    %get3A_14 = vector.extract %get3A_13[0, 0] : f32 from vector<1x1xf32>
    %mul3A_15 = vector.broadcast %get3A_14 : f32 to vector<8x128xf32>
    %mul3A_16 = arith.mulf %get3A_10, %mul3A_15 : vector<8x128xf32>
    %add3A_17 = arith.addf %add3A, %mul3A_16 : vector<8x128xf32>
    %get3A_18 = arith.constant 16 : index
    %get3A_19 = arith.constant 0 : index
    %get3A_20 = vector.load %arg0[%get3A_18, %get3A_19] : memref<512x128xf32, #tpu.memory_space<vmem>>, vector<8x128xf32>
    %get3A_21 = arith.constant 0 : index
    %get3A_22 = arith.constant 2 : index
    %get3A_23 = vector.load %arg1[%get3A_21, %get3A_22] : memref<1x128xf32, #tpu.memory_space<vmem>>, vector<1x1xf32>
    %get3A_24 = vector.extract %get3A_23[0, 0] : f32 from vector<1x1xf32>
    %mul3A_25 = vector.broadcast %get3A_24 : f32 to vector<8x128xf32>
    %mul3A_26 = arith.mulf %get3A_20, %mul3A_25 : vector<8x128xf32>
    %add3A_27 = arith.addf %add3A_17, %mul3A_26 : vector<8x128xf32>
    %get3A_28 = arith.constant 24 : index
    %get3A_29 = arith.constant 0 : index
    %get3A_30 = vector.load %arg0[%get3A_28, %get3A_29] : memref<512x128xf32, #tpu.memory_space<vmem>>, vector<8x128xf32>
    %get3A_31 = arith.constant 0 : index
    %get3A_32 = arith.constant 3 : index
    %get3A_33 = vector.load %arg1[%get3A_31, %get3A_32] : memref<1x128xf32, #tpu.memory_space<vmem>>, vector<1x1xf32>
    %get3A_34 = vector.extract %get3A_33[0, 0] : f32 from vector<1x1xf32>
    %mul3A_35 = vector.broadcast %get3A_34 : f32 to vector<8x128xf32>
    %mul3A_36 = arith.mulf %get3A_30, %mul3A_35 : vector<8x128xf32>
    %add3A_37 = arith.addf %add3A_27, %mul3A_36 : vector<8x128xf32>
    %get3A_38 = arith.constant 32 : index
    %get3A_39 = arith.constant 0 : index
    %get3A_40 = vector.load %arg0[%get3A_38, %get3A_39] : memref<512x128xf32, #tpu.memory_space<vmem>>, vector<8x128xf32>
    %get3A_41 = arith.constant 0 : index
    %get3A_42 = arith.constant 4 : index
    %get3A_43 = vector.load %arg1[%get3A_41, %get3A_42] : memref<1x128xf32, #tpu.memory_space<vmem>>, vector<1x1xf32>
    %get3A_44 = vector.extract %get3A_43[0, 0] : f32 from vector<1x1xf32>
    %mul3A_45 = vector.broadcast %get3A_44 : f32 to vector<8x128xf32>
    %mul3A_46 = arith.mulf %get3A_40, %mul3A_45 : vector<8x128xf32>
    %add3A_47 = arith.addf %add3A_37, %mul3A_46 : vector<8x128xf32>
    %get3A_48 = arith.constant 40 : index
    %get3A_49 = arith.constant 0 : index
    %get3A_50 = vector.load %arg0[%get3A_48, %get3A_49] : memref<512x128xf32, #tpu.memory_space<vmem>>, vector<8x128xf32>
    %get3A_51 = arith.constant 0 : index
    %get3A_52 = arith.constant 5 : index
    %get3A_53 = vector.load %arg1[%get3A_51, %get3A_52] : memref<1x128xf32, #tpu.memory_space<vmem>>, vector<1x1xf32>
    %get3A_54 = vector.extract %get3A_53[0, 0] : f32 from vector<1x1xf32>
    %mul3A_55 = vector.broadcast %get3A_54 : f32 to vector<8x128xf32>
    %mul3A_56 = arith.mulf %get3A_50, %mul3A_55 : vector<8x128xf32>
    %add3A_57 = arith.addf %add3A_47, %mul3A_56 : vector<8x128xf32>
    %get3A_58 = arith.constant 48 : index
    %get3A_59 = arith.constant 0 : index
    %get3A_60 = vector.load %arg0[%get3A_58, %get3A_59] : memref<512x128xf32, #tpu.memory_space<vmem>>, vector<8x128xf32>
    %get3A_61 = arith.constant 0 : index
    %get3A_62 = arith.constant 6 : index
    %get3A_63 = vector.load %arg1[%get3A_61, %get3A_62] : memref<1x128xf32, #tpu.memory_space<vmem>>, vector<1x1xf32>
    %get3A_64 = vector.extract %get3A_63[0, 0] : f32 from vector<1x1xf32>
    %mul3A_65 = vector.broadcast %get3A_64 : f32 to vector<8x128xf32>
    %mul3A_66 = arith.mulf %get3A_60, %mul3A_65 : vector<8x128xf32>
    %add3A_67 = arith.addf %add3A_57, %mul3A_66 : vector<8x128xf32>
    %get3A_68 = arith.constant 56 : index
    %get3A_69 = arith.constant 0 : index
    %get3A_70 = vector.load %arg0[%get3A_68, %get3A_69] : memref<512x128xf32, #tpu.memory_space<vmem>>, vector<8x128xf32>
    %get3A_71 = arith.constant 0 : index
    %get3A_72 = arith.constant 7 : index
    %get3A_73 = vector.load %arg1[%get3A_71, %get3A_72] : memref<1x128xf32, #tpu.memory_space<vmem>>, vector<1x1xf32>
    %get3A_74 = vector.extract %get3A_73[0, 0] : f32 from vector<1x1xf32>
    %mul3A_75 = vector.broadcast %get3A_74 : f32 to vector<8x128xf32>
    %mul3A_76 = arith.mulf %get3A_70, %mul3A_75 : vector<8x128xf32>
    %add3A_77 = arith.addf %add3A_67, %mul3A_76 : vector<8x128xf32>
    %get3A_78 = arith.constant 64 : index
    %get3A_79 = arith.constant 0 : index
    %get3A_80 = vector.load %arg0[%get3A_78, %get3A_79] : memref<512x128xf32, #tpu.memory_space<vmem>>, vector<8x128xf32>
    %get3A_81 = arith.constant 0 : index
    %get3A_82 = arith.constant 8 : index
    %get3A_83 = vector.load %arg1[%get3A_81, %get3A_82] : memref<1x128xf32, #tpu.memory_space<vmem>>, vector<1x1xf32>
    %get3A_84 = vector.extract %get3A_83[0, 0] : f32 from vector<1x1xf32>
    %mul3A_85 = vector.broadcast %get3A_84 : f32 to vector<8x128xf32>
    %mul3A_86 = arith.mulf %get3A_80, %mul3A_85 : vector<8x128xf32>
    %add3A_87 = arith.addf %add3A_77, %mul3A_86 : vector<8x128xf32>
    %get3A_88 = arith.constant 72 : index
    %get3A_89 = arith.constant 0 : index
    %get3A_90 = vector.load %arg0[%get3A_88, %get3A_89] : memref<512x128xf32, #tpu.memory_space<vmem>>, vector<8x128xf32>
    %get3A_91 = arith.constant 0 : index
    %get3A_92 = arith.constant 9 : index
    %get3A_93 = vector.load %arg1[%get3A_91, %get3A_92] : memref<1x128xf32, #tpu.memory_space<vmem>>, vector<1x1xf32>
    %get3A_94 = vector.extract %get3A_93[0, 0] : f32 from vector<1x1xf32>
    %mul3A_95 = vector.broadcast %get3A_94 : f32 to vector<8x128xf32>
    %mul3A_96 = arith.mulf %get3A_90, %mul3A_95 : vector<8x128xf32>
    %add3A_97 = arith.addf %add3A_87, %mul3A_96 : vector<8x128xf32>
    %get3A_98 = arith.constant 80 : index
    %get3A_99 = arith.constant 0 : index
    %get3A_100 = vector.load %arg0[%get3A_98, %get3A_99] : memref<512x128xf32, #tpu.memory_space<vmem>>, vector<8x128xf32>
    %get3A_101 = arith.constant 0 : index
    %get3A_102 = arith.constant 10 : index
    %get3A_103 = vector.load %arg1[%get3A_101, %get3A_102] : memref<1x128xf32, #tpu.memory_space<vmem>>, vector<1x1xf32>
    %get3A_104 = vector.extract %get3A_103[0, 0] : f32 from vector<1x1xf32>
    %mul3A_105 = vector.broadcast %get3A_104 : f32 to vector<8x128xf32>
    %mul3A_106 = arith.mulf %get3A_100, %mul3A_105 : vector<8x128xf32>
    %add3A_107 = arith.addf %add3A_97, %mul3A_106 : vector<8x128xf32>
    %get3A_108 = arith.constant 88 : index
    %get3A_109 = arith.constant 0 : index
    %get3A_110 = vector.load %arg0[%get3A_108, %get3A_109] : memref<512x128xf32, #tpu.memory_space<vmem>>, vector<8x128xf32>
    %get3A_111 = arith.constant 0 : index
    %get3A_112 = arith.constant 11 : index
    %get3A_113 = vector.load %arg1[%get3A_111, %get3A_112] : memref<1x128xf32, #tpu.memory_space<vmem>>, vector<1x1xf32>
    %get3A_114 = vector.extract %get3A_113[0, 0] : f32 from vector<1x1xf32>
    %mul3A_115 = vector.broadcast %get3A_114 : f32 to vector<8x128xf32>
    %mul3A_116 = arith.mulf %get3A_110, %mul3A_115 : vector<8x128xf32>
    %add3A_117 = arith.addf %add3A_107, %mul3A_116 : vector<8x128xf32>
    %get3A_118 = arith.constant 96 : index
    %get3A_119 = arith.constant 0 : index
    %get3A_120 = vector.load %arg0[%get3A_118, %get3A_119] : memref<512x128xf32, #tpu.memory_space<vmem>>, vector<8x128xf32>
    %get3A_121 = arith.constant 0 : index
    %get3A_122 = arith.constant 12 : index
    %get3A_123 = vector.load %arg1[%get3A_121, %get3A_122] : memref<1x128xf32, #tpu.memory_space<vmem>>, vector<1x1xf32>
    %get3A_124 = vector.extract %get3A_123[0, 0] : f32 from vector<1x1xf32>
    %mul3A_125 = vector.broadcast %get3A_124 : f32 to vector<8x128xf32>
    %mul3A_126 = arith.mulf %get3A_120, %mul3A_125 : vector<8x128xf32>
    %add3A_127 = arith.addf %add3A_117, %mul3A_126 : vector<8x128xf32>
    %get3A_128 = arith.constant 104 : index
    %get3A_129 = arith.constant 0 : index
    %get3A_130 = vector.load %arg0[%get3A_128, %get3A_129] : memref<512x128xf32, #tpu.memory_space<vmem>>, vector<8x128xf32>
    %get3A_131 = arith.constant 0 : index
    %get3A_132 = arith.constant 13 : index
    %get3A_133 = vector.load %arg1[%get3A_131, %get3A_132] : memref<1x128xf32, #tpu.memory_space<vmem>>, vector<1x1xf32>
    %get3A_134 = vector.extract %get3A_133[0, 0] : f32 from vector<1x1xf32>
    %mul3A_135 = vector.broadcast %get3A_134 : f32 to vector<8x128xf32>
    %mul3A_136 = arith.mulf %get3A_130, %mul3A_135 : vector<8x128xf32>
    %add3A_137 = arith.addf %add3A_127, %mul3A_136 : vector<8x128xf32>
    %get3A_138 = arith.constant 112 : index
    %get3A_139 = arith.constant 0 : index
    %get3A_140 = vector.load %arg0[%get3A_138, %get3A_139] : memref<512x128xf32, #tpu.memory_space<vmem>>, vector<8x128xf32>
    %get3A_141 = arith.constant 0 : index
    %get3A_142 = arith.constant 14 : index
    %get3A_143 = vector.load %arg1[%get3A_141, %get3A_142] : memref<1x128xf32, #tpu.memory_space<vmem>>, vector<1x1xf32>
    %get3A_144 = vector.extract %get3A_143[0, 0] : f32 from vector<1x1xf32>
    %mul3A_145 = vector.broadcast %get3A_144 : f32 to vector<8x128xf32>
    %mul3A_146 = arith.mulf %get3A_140, %mul3A_145 : vector<8x128xf32>
    %add3A_147 = arith.addf %add3A_137, %mul3A_146 : vector<8x128xf32>
    %get3A_148 = arith.constant 120 : index
    %get3A_149 = arith.constant 0 : index
    %get3A_150 = vector.load %arg0[%get3A_148, %get3A_149] : memref<512x128xf32, #tpu.memory_space<vmem>>, vector<8x128xf32>
    %get3A_151 = arith.constant 0 : index
    %get3A_152 = arith.constant 15 : index
    %get3A_153 = vector.load %arg1[%get3A_151, %get3A_152] : memref<1x128xf32, #tpu.memory_space<vmem>>, vector<1x1xf32>
    %get3A_154 = vector.extract %get3A_153[0, 0] : f32 from vector<1x1xf32>
    %mul3A_155 = vector.broadcast %get3A_154 : f32 to vector<8x128xf32>
    %mul3A_156 = arith.mulf %get3A_150, %mul3A_155 : vector<8x128xf32>
    %add3A_157 = arith.addf %add3A_147, %mul3A_156 : vector<8x128xf32>
    %get3A_158 = arith.constant 128 : index
    %get3A_159 = arith.constant 0 : index
    %get3A_160 = vector.load %arg0[%get3A_158, %get3A_159] : memref<512x128xf32, #tpu.memory_space<vmem>>, vector<8x128xf32>
    %get3A_161 = arith.constant 0 : index
    %get3A_162 = arith.constant 16 : index
    %get3A_163 = vector.load %arg1[%get3A_161, %get3A_162] : memref<1x128xf32, #tpu.memory_space<vmem>>, vector<1x1xf32>
    %get3A_164 = vector.extract %get3A_163[0, 0] : f32 from vector<1x1xf32>
    %mul3A_165 = vector.broadcast %get3A_164 : f32 to vector<8x128xf32>
    %mul3A_166 = arith.mulf %get3A_160, %mul3A_165 : vector<8x128xf32>
    %add3A_167 = arith.addf %add3A_157, %mul3A_166 : vector<8x128xf32>
    %get3A_168 = arith.constant 136 : index
    %get3A_169 = arith.constant 0 : index
    %get3A_170 = vector.load %arg0[%get3A_168, %get3A_169] : memref<512x128xf32, #tpu.memory_space<vmem>>, vector<8x128xf32>
    %get3A_171 = arith.constant 0 : index
    %get3A_172 = arith.constant 17 : index
    %get3A_173 = vector.load %arg1[%get3A_171, %get3A_172] : memref<1x128xf32, #tpu.memory_space<vmem>>, vector<1x1xf32>
    %get3A_174 = vector.extract %get3A_173[0, 0] : f32 from vector<1x1xf32>
    %mul3A_175 = vector.broadcast %get3A_174 : f32 to vector<8x128xf32>
    %mul3A_176 = arith.mulf %get3A_170, %mul3A_175 : vector<8x128xf32>
    %add3A_177 = arith.addf %add3A_167, %mul3A_176 : vector<8x128xf32>
    %get3A_178 = arith.constant 144 : index
    %get3A_179 = arith.constant 0 : index
    %get3A_180 = vector.load %arg0[%get3A_178, %get3A_179] : memref<512x128xf32, #tpu.memory_space<vmem>>, vector<8x128xf32>
    %get3A_181 = arith.constant 0 : index
    %get3A_182 = arith.constant 18 : index
    %get3A_183 = vector.load %arg1[%get3A_181, %get3A_182] : memref<1x128xf32, #tpu.memory_space<vmem>>, vector<1x1xf32>
    %get3A_184 = vector.extract %get3A_183[0, 0] : f32 from vector<1x1xf32>
    %mul3A_185 = vector.broadcast %get3A_184 : f32 to vector<8x128xf32>
    %mul3A_186 = arith.mulf %get3A_180, %mul3A_185 : vector<8x128xf32>
    %add3A_187 = arith.addf %add3A_177, %mul3A_186 : vector<8x128xf32>
    %get3A_188 = arith.constant 152 : index
    %get3A_189 = arith.constant 0 : index
    %get3A_190 = vector.load %arg0[%get3A_188, %get3A_189] : memref<512x128xf32, #tpu.memory_space<vmem>>, vector<8x128xf32>
    %get3A_191 = arith.constant 0 : index
    %get3A_192 = arith.constant 19 : index
    %get3A_193 = vector.load %arg1[%get3A_191, %get3A_192] : memref<1x128xf32, #tpu.memory_space<vmem>>, vector<1x1xf32>
    %get3A_194 = vector.extract %get3A_193[0, 0] : f32 from vector<1x1xf32>
    %mul3A_195 = vector.broadcast %get3A_194 : f32 to vector<8x128xf32>
    %mul3A_196 = arith.mulf %get3A_190, %mul3A_195 : vector<8x128xf32>
    %add3A_197 = arith.addf %add3A_187, %mul3A_196 : vector<8x128xf32>
    %get3A_198 = arith.constant 160 : index
    %get3A_199 = arith.constant 0 : index
    %get3A_200 = vector.load %arg0[%get3A_198, %get3A_199] : memref<512x128xf32, #tpu.memory_space<vmem>>, vector<8x128xf32>
    %get3A_201 = arith.constant 0 : index
    %get3A_202 = arith.constant 20 : index
    %get3A_203 = vector.load %arg1[%get3A_201, %get3A_202] : memref<1x128xf32, #tpu.memory_space<vmem>>, vector<1x1xf32>
    %get3A_204 = vector.extract %get3A_203[0, 0] : f32 from vector<1x1xf32>
    %mul3A_205 = vector.broadcast %get3A_204 : f32 to vector<8x128xf32>
    %mul3A_206 = arith.mulf %get3A_200, %mul3A_205 : vector<8x128xf32>
    %add3A_207 = arith.addf %add3A_197, %mul3A_206 : vector<8x128xf32>
    %get3A_208 = arith.constant 168 : index
    %get3A_209 = arith.constant 0 : index
    %get3A_210 = vector.load %arg0[%get3A_208, %get3A_209] : memref<512x128xf32, #tpu.memory_space<vmem>>, vector<8x128xf32>
    %get3A_211 = arith.constant 0 : index
    %get3A_212 = arith.constant 21 : index
    %get3A_213 = vector.load %arg1[%get3A_211, %get3A_212] : memref<1x128xf32, #tpu.memory_space<vmem>>, vector<1x1xf32>
    %get3A_214 = vector.extract %get3A_213[0, 0] : f32 from vector<1x1xf32>
    %mul3A_215 = vector.broadcast %get3A_214 : f32 to vector<8x128xf32>
    %mul3A_216 = arith.mulf %get3A_210, %mul3A_215 : vector<8x128xf32>
    %add3A_217 = arith.addf %add3A_207, %mul3A_216 : vector<8x128xf32>
    %get3A_218 = arith.constant 176 : index
    %get3A_219 = arith.constant 0 : index
    %get3A_220 = vector.load %arg0[%get3A_218, %get3A_219] : memref<512x128xf32, #tpu.memory_space<vmem>>, vector<8x128xf32>
    %get3A_221 = arith.constant 0 : index
    %get3A_222 = arith.constant 22 : index
    %get3A_223 = vector.load %arg1[%get3A_221, %get3A_222] : memref<1x128xf32, #tpu.memory_space<vmem>>, vector<1x1xf32>
    %get3A_224 = vector.extract %get3A_223[0, 0] : f32 from vector<1x1xf32>
    %mul3A_225 = vector.broadcast %get3A_224 : f32 to vector<8x128xf32>
    %mul3A_226 = arith.mulf %get3A_220, %mul3A_225 : vector<8x128xf32>
    %add3A_227 = arith.addf %add3A_217, %mul3A_226 : vector<8x128xf32>
    %get3A_228 = arith.constant 184 : index
    %get3A_229 = arith.constant 0 : index
    %get3A_230 = vector.load %arg0[%get3A_228, %get3A_229] : memref<512x128xf32, #tpu.memory_space<vmem>>, vector<8x128xf32>
    %get3A_231 = arith.constant 0 : index
    %get3A_232 = arith.constant 23 : index
    %get3A_233 = vector.load %arg1[%get3A_231, %get3A_232] : memref<1x128xf32, #tpu.memory_space<vmem>>, vector<1x1xf32>
    %get3A_234 = vector.extract %get3A_233[0, 0] : f32 from vector<1x1xf32>
    %mul3A_235 = vector.broadcast %get3A_234 : f32 to vector<8x128xf32>
    %mul3A_236 = arith.mulf %get3A_230, %mul3A_235 : vector<8x128xf32>
    %add3A_237 = arith.addf %add3A_227, %mul3A_236 : vector<8x128xf32>
    %get3A_238 = arith.constant 192 : index
    %get3A_239 = arith.constant 0 : index
    %get3A_240 = vector.load %arg0[%get3A_238, %get3A_239] : memref<512x128xf32, #tpu.memory_space<vmem>>, vector<8x128xf32>
    %get3A_241 = arith.constant 0 : index
    %get3A_242 = arith.constant 24 : index
    %get3A_243 = vector.load %arg1[%get3A_241, %get3A_242] : memref<1x128xf32, #tpu.memory_space<vmem>>, vector<1x1xf32>
    %get3A_244 = vector.extract %get3A_243[0, 0] : f32 from vector<1x1xf32>
    %mul3A_245 = vector.broadcast %get3A_244 : f32 to vector<8x128xf32>
    %mul3A_246 = arith.mulf %get3A_240, %mul3A_245 : vector<8x128xf32>
    %add3A_247 = arith.addf %add3A_237, %mul3A_246 : vector<8x128xf32>
    %get3A_248 = arith.constant 200 : index
    %get3A_249 = arith.constant 0 : index
    %get3A_250 = vector.load %arg0[%get3A_248, %get3A_249] : memref<512x128xf32, #tpu.memory_space<vmem>>, vector<8x128xf32>
    %get3A_251 = arith.constant 0 : index
    %get3A_252 = arith.constant 25 : index
    %get3A_253 = vector.load %arg1[%get3A_251, %get3A_252] : memref<1x128xf32, #tpu.memory_space<vmem>>, vector<1x1xf32>
    %get3A_254 = vector.extract %get3A_253[0, 0] : f32 from vector<1x1xf32>
    %mul3A_255 = vector.broadcast %get3A_254 : f32 to vector<8x128xf32>
    %mul3A_256 = arith.mulf %get3A_250, %mul3A_255 : vector<8x128xf32>
    %add3A_257 = arith.addf %add3A_247, %mul3A_256 : vector<8x128xf32>
    %get3A_258 = arith.constant 208 : index
    %get3A_259 = arith.constant 0 : index
    %get3A_260 = vector.load %arg0[%get3A_258, %get3A_259] : memref<512x128xf32, #tpu.memory_space<vmem>>, vector<8x128xf32>
    %get3A_261 = arith.constant 0 : index
    %get3A_262 = arith.constant 26 : index
    %get3A_263 = vector.load %arg1[%get3A_261, %get3A_262] : memref<1x128xf32, #tpu.memory_space<vmem>>, vector<1x1xf32>
    %get3A_264 = vector.extract %get3A_263[0, 0] : f32 from vector<1x1xf32>
    %mul3A_265 = vector.broadcast %get3A_264 : f32 to vector<8x128xf32>
    %mul3A_266 = arith.mulf %get3A_260, %mul3A_265 : vector<8x128xf32>
    %add3A_267 = arith.addf %add3A_257, %mul3A_266 : vector<8x128xf32>
    %get3A_268 = arith.constant 216 : index
    %get3A_269 = arith.constant 0 : index
    %get3A_270 = vector.load %arg0[%get3A_268, %get3A_269] : memref<512x128xf32, #tpu.memory_space<vmem>>, vector<8x128xf32>
    %get3A_271 = arith.constant 0 : index
    %get3A_272 = arith.constant 27 : index
    %get3A_273 = vector.load %arg1[%get3A_271, %get3A_272] : memref<1x128xf32, #tpu.memory_space<vmem>>, vector<1x1xf32>
    %get3A_274 = vector.extract %get3A_273[0, 0] : f32 from vector<1x1xf32>
    %mul3A_275 = vector.broadcast %get3A_274 : f32 to vector<8x128xf32>
    %mul3A_276 = arith.mulf %get3A_270, %mul3A_275 : vector<8x128xf32>
    %add3A_277 = arith.addf %add3A_267, %mul3A_276 : vector<8x128xf32>
    %get3A_278 = arith.constant 224 : index
    %get3A_279 = arith.constant 0 : index
    %get3A_280 = vector.load %arg0[%get3A_278, %get3A_279] : memref<512x128xf32, #tpu.memory_space<vmem>>, vector<8x128xf32>
    %get3A_281 = arith.constant 0 : index
    %get3A_282 = arith.constant 28 : index
    %get3A_283 = vector.load %arg1[%get3A_281, %get3A_282] : memref<1x128xf32, #tpu.memory_space<vmem>>, vector<1x1xf32>
    %get3A_284 = vector.extract %get3A_283[0, 0] : f32 from vector<1x1xf32>
    %mul3A_285 = vector.broadcast %get3A_284 : f32 to vector<8x128xf32>
    %mul3A_286 = arith.mulf %get3A_280, %mul3A_285 : vector<8x128xf32>
    %add3A_287 = arith.addf %add3A_277, %mul3A_286 : vector<8x128xf32>
    %get3A_288 = arith.constant 232 : index
    %get3A_289 = arith.constant 0 : index
    %get3A_290 = vector.load %arg0[%get3A_288, %get3A_289] : memref<512x128xf32, #tpu.memory_space<vmem>>, vector<8x128xf32>
    %get3A_291 = arith.constant 0 : index
    %get3A_292 = arith.constant 29 : index
    %get3A_293 = vector.load %arg1[%get3A_291, %get3A_292] : memref<1x128xf32, #tpu.memory_space<vmem>>, vector<1x1xf32>
    %get3A_294 = vector.extract %get3A_293[0, 0] : f32 from vector<1x1xf32>
    %mul3A_295 = vector.broadcast %get3A_294 : f32 to vector<8x128xf32>
    %mul3A_296 = arith.mulf %get3A_290, %mul3A_295 : vector<8x128xf32>
    %add3A_297 = arith.addf %add3A_287, %mul3A_296 : vector<8x128xf32>
    %get3A_298 = arith.constant 240 : index
    %get3A_299 = arith.constant 0 : index
    %get3A_300 = vector.load %arg0[%get3A_298, %get3A_299] : memref<512x128xf32, #tpu.memory_space<vmem>>, vector<8x128xf32>
    %get3A_301 = arith.constant 0 : index
    %get3A_302 = arith.constant 30 : index
    %get3A_303 = vector.load %arg1[%get3A_301, %get3A_302] : memref<1x128xf32, #tpu.memory_space<vmem>>, vector<1x1xf32>
    %get3A_304 = vector.extract %get3A_303[0, 0] : f32 from vector<1x1xf32>
    %mul3A_305 = vector.broadcast %get3A_304 : f32 to vector<8x128xf32>
    %mul3A_306 = arith.mulf %get3A_300, %mul3A_305 : vector<8x128xf32>
    %add3A_307 = arith.addf %add3A_297, %mul3A_306 : vector<8x128xf32>
    %get3A_308 = arith.constant 248 : index
    %get3A_309 = arith.constant 0 : index
    %get3A_310 = vector.load %arg0[%get3A_308, %get3A_309] : memref<512x128xf32, #tpu.memory_space<vmem>>, vector<8x128xf32>
    %get3A_311 = arith.constant 0 : index
    %get3A_312 = arith.constant 31 : index
    %get3A_313 = vector.load %arg1[%get3A_311, %get3A_312] : memref<1x128xf32, #tpu.memory_space<vmem>>, vector<1x1xf32>
    %get3A_314 = vector.extract %get3A_313[0, 0] : f32 from vector<1x1xf32>
    %mul3A_315 = vector.broadcast %get3A_314 : f32 to vector<8x128xf32>
    %mul3A_316 = arith.mulf %get3A_310, %mul3A_315 : vector<8x128xf32>
    %add3A_317 = arith.addf %add3A_307, %mul3A_316 : vector<8x128xf32>
    %get3A_318 = arith.constant 256 : index
    %get3A_319 = arith.constant 0 : index
    %get3A_320 = vector.load %arg0[%get3A_318, %get3A_319] : memref<512x128xf32, #tpu.memory_space<vmem>>, vector<8x128xf32>
    %get3A_321 = arith.constant 0 : index
    %get3A_322 = arith.constant 32 : index
    %get3A_323 = vector.load %arg1[%get3A_321, %get3A_322] : memref<1x128xf32, #tpu.memory_space<vmem>>, vector<1x1xf32>
    %get3A_324 = vector.extract %get3A_323[0, 0] : f32 from vector<1x1xf32>
    %mul3A_325 = vector.broadcast %get3A_324 : f32 to vector<8x128xf32>
    %mul3A_326 = arith.mulf %get3A_320, %mul3A_325 : vector<8x128xf32>
    %add3A_327 = arith.addf %add3A_317, %mul3A_326 : vector<8x128xf32>
    %get3A_328 = arith.constant 264 : index
    %get3A_329 = arith.constant 0 : index
    %get3A_330 = vector.load %arg0[%get3A_328, %get3A_329] : memref<512x128xf32, #tpu.memory_space<vmem>>, vector<8x128xf32>
    %get3A_331 = arith.constant 0 : index
    %get3A_332 = arith.constant 33 : index
    %get3A_333 = vector.load %arg1[%get3A_331, %get3A_332] : memref<1x128xf32, #tpu.memory_space<vmem>>, vector<1x1xf32>
    %get3A_334 = vector.extract %get3A_333[0, 0] : f32 from vector<1x1xf32>
    %mul3A_335 = vector.broadcast %get3A_334 : f32 to vector<8x128xf32>
    %mul3A_336 = arith.mulf %get3A_330, %mul3A_335 : vector<8x128xf32>
    %add3A_337 = arith.addf %add3A_327, %mul3A_336 : vector<8x128xf32>
    %get3A_338 = arith.constant 272 : index
    %get3A_339 = arith.constant 0 : index
    %get3A_340 = vector.load %arg0[%get3A_338, %get3A_339] : memref<512x128xf32, #tpu.memory_space<vmem>>, vector<8x128xf32>
    %get3A_341 = arith.constant 0 : index
    %get3A_342 = arith.constant 34 : index
    %get3A_343 = vector.load %arg1[%get3A_341, %get3A_342] : memref<1x128xf32, #tpu.memory_space<vmem>>, vector<1x1xf32>
    %get3A_344 = vector.extract %get3A_343[0, 0] : f32 from vector<1x1xf32>
    %mul3A_345 = vector.broadcast %get3A_344 : f32 to vector<8x128xf32>
    %mul3A_346 = arith.mulf %get3A_340, %mul3A_345 : vector<8x128xf32>
    %add3A_347 = arith.addf %add3A_337, %mul3A_346 : vector<8x128xf32>
    %get3A_348 = arith.constant 280 : index
    %get3A_349 = arith.constant 0 : index
    %get3A_350 = vector.load %arg0[%get3A_348, %get3A_349] : memref<512x128xf32, #tpu.memory_space<vmem>>, vector<8x128xf32>
    %get3A_351 = arith.constant 0 : index
    %get3A_352 = arith.constant 35 : index
    %get3A_353 = vector.load %arg1[%get3A_351, %get3A_352] : memref<1x128xf32, #tpu.memory_space<vmem>>, vector<1x1xf32>
    %get3A_354 = vector.extract %get3A_353[0, 0] : f32 from vector<1x1xf32>
    %mul3A_355 = vector.broadcast %get3A_354 : f32 to vector<8x128xf32>
    %mul3A_356 = arith.mulf %get3A_350, %mul3A_355 : vector<8x128xf32>
    %add3A_357 = arith.addf %add3A_347, %mul3A_356 : vector<8x128xf32>
    %get3A_358 = arith.constant 288 : index
    %get3A_359 = arith.constant 0 : index
    %get3A_360 = vector.load %arg0[%get3A_358, %get3A_359] : memref<512x128xf32, #tpu.memory_space<vmem>>, vector<8x128xf32>
    %get3A_361 = arith.constant 0 : index
    %get3A_362 = arith.constant 36 : index
    %get3A_363 = vector.load %arg1[%get3A_361, %get3A_362] : memref<1x128xf32, #tpu.memory_space<vmem>>, vector<1x1xf32>
    %get3A_364 = vector.extract %get3A_363[0, 0] : f32 from vector<1x1xf32>
    %mul3A_365 = vector.broadcast %get3A_364 : f32 to vector<8x128xf32>
    %mul3A_366 = arith.mulf %get3A_360, %mul3A_365 : vector<8x128xf32>
    %add3A_367 = arith.addf %add3A_357, %mul3A_366 : vector<8x128xf32>
    %get3A_368 = arith.constant 296 : index
    %get3A_369 = arith.constant 0 : index
    %get3A_370 = vector.load %arg0[%get3A_368, %get3A_369] : memref<512x128xf32, #tpu.memory_space<vmem>>, vector<8x128xf32>
    %get3A_371 = arith.constant 0 : index
    %get3A_372 = arith.constant 37 : index
    %get3A_373 = vector.load %arg1[%get3A_371, %get3A_372] : memref<1x128xf32, #tpu.memory_space<vmem>>, vector<1x1xf32>
    %get3A_374 = vector.extract %get3A_373[0, 0] : f32 from vector<1x1xf32>
    %mul3A_375 = vector.broadcast %get3A_374 : f32 to vector<8x128xf32>
    %mul3A_376 = arith.mulf %get3A_370, %mul3A_375 : vector<8x128xf32>
    %add3A_377 = arith.addf %add3A_367, %mul3A_376 : vector<8x128xf32>
    %get3A_378 = arith.constant 304 : index
    %get3A_379 = arith.constant 0 : index
    %get3A_380 = vector.load %arg0[%get3A_378, %get3A_379] : memref<512x128xf32, #tpu.memory_space<vmem>>, vector<8x128xf32>
    %get3A_381 = arith.constant 0 : index
    %get3A_382 = arith.constant 38 : index
    %get3A_383 = vector.load %arg1[%get3A_381, %get3A_382] : memref<1x128xf32, #tpu.memory_space<vmem>>, vector<1x1xf32>
    %get3A_384 = vector.extract %get3A_383[0, 0] : f32 from vector<1x1xf32>
    %mul3A_385 = vector.broadcast %get3A_384 : f32 to vector<8x128xf32>
    %mul3A_386 = arith.mulf %get3A_380, %mul3A_385 : vector<8x128xf32>
    %add3A_387 = arith.addf %add3A_377, %mul3A_386 : vector<8x128xf32>
    %get3A_388 = arith.constant 312 : index
    %get3A_389 = arith.constant 0 : index
    %get3A_390 = vector.load %arg0[%get3A_388, %get3A_389] : memref<512x128xf32, #tpu.memory_space<vmem>>, vector<8x128xf32>
    %get3A_391 = arith.constant 0 : index
    %get3A_392 = arith.constant 39 : index
    %get3A_393 = vector.load %arg1[%get3A_391, %get3A_392] : memref<1x128xf32, #tpu.memory_space<vmem>>, vector<1x1xf32>
    %get3A_394 = vector.extract %get3A_393[0, 0] : f32 from vector<1x1xf32>
    %mul3A_395 = vector.broadcast %get3A_394 : f32 to vector<8x128xf32>
    %mul3A_396 = arith.mulf %get3A_390, %mul3A_395 : vector<8x128xf32>
    %add3A_397 = arith.addf %add3A_387, %mul3A_396 : vector<8x128xf32>
    %get3A_398 = arith.constant 320 : index
    %get3A_399 = arith.constant 0 : index
    %get3A_400 = vector.load %arg0[%get3A_398, %get3A_399] : memref<512x128xf32, #tpu.memory_space<vmem>>, vector<8x128xf32>
    %get3A_401 = arith.constant 0 : index
    %get3A_402 = arith.constant 40 : index
    %get3A_403 = vector.load %arg1[%get3A_401, %get3A_402] : memref<1x128xf32, #tpu.memory_space<vmem>>, vector<1x1xf32>
    %get3A_404 = vector.extract %get3A_403[0, 0] : f32 from vector<1x1xf32>
    %mul3A_405 = vector.broadcast %get3A_404 : f32 to vector<8x128xf32>
    %mul3A_406 = arith.mulf %get3A_400, %mul3A_405 : vector<8x128xf32>
    %add3A_407 = arith.addf %add3A_397, %mul3A_406 : vector<8x128xf32>
    %get3A_408 = arith.constant 328 : index
    %get3A_409 = arith.constant 0 : index
    %get3A_410 = vector.load %arg0[%get3A_408, %get3A_409] : memref<512x128xf32, #tpu.memory_space<vmem>>, vector<8x128xf32>
    %get3A_411 = arith.constant 0 : index
    %get3A_412 = arith.constant 41 : index
    %get3A_413 = vector.load %arg1[%get3A_411, %get3A_412] : memref<1x128xf32, #tpu.memory_space<vmem>>, vector<1x1xf32>
    %get3A_414 = vector.extract %get3A_413[0, 0] : f32 from vector<1x1xf32>
    %mul3A_415 = vector.broadcast %get3A_414 : f32 to vector<8x128xf32>
    %mul3A_416 = arith.mulf %get3A_410, %mul3A_415 : vector<8x128xf32>
    %add3A_417 = arith.addf %add3A_407, %mul3A_416 : vector<8x128xf32>
    %get3A_418 = arith.constant 336 : index
    %get3A_419 = arith.constant 0 : index
    %get3A_420 = vector.load %arg0[%get3A_418, %get3A_419] : memref<512x128xf32, #tpu.memory_space<vmem>>, vector<8x128xf32>
    %get3A_421 = arith.constant 0 : index
    %get3A_422 = arith.constant 42 : index
    %get3A_423 = vector.load %arg1[%get3A_421, %get3A_422] : memref<1x128xf32, #tpu.memory_space<vmem>>, vector<1x1xf32>
    %get3A_424 = vector.extract %get3A_423[0, 0] : f32 from vector<1x1xf32>
    %mul3A_425 = vector.broadcast %get3A_424 : f32 to vector<8x128xf32>
    %mul3A_426 = arith.mulf %get3A_420, %mul3A_425 : vector<8x128xf32>
    %add3A_427 = arith.addf %add3A_417, %mul3A_426 : vector<8x128xf32>
    %get3A_428 = arith.constant 344 : index
    %get3A_429 = arith.constant 0 : index
    %get3A_430 = vector.load %arg0[%get3A_428, %get3A_429] : memref<512x128xf32, #tpu.memory_space<vmem>>, vector<8x128xf32>
    %get3A_431 = arith.constant 0 : index
    %get3A_432 = arith.constant 43 : index
    %get3A_433 = vector.load %arg1[%get3A_431, %get3A_432] : memref<1x128xf32, #tpu.memory_space<vmem>>, vector<1x1xf32>
    %get3A_434 = vector.extract %get3A_433[0, 0] : f32 from vector<1x1xf32>
    %mul3A_435 = vector.broadcast %get3A_434 : f32 to vector<8x128xf32>
    %mul3A_436 = arith.mulf %get3A_430, %mul3A_435 : vector<8x128xf32>
    %add3A_437 = arith.addf %add3A_427, %mul3A_436 : vector<8x128xf32>
    %get3A_438 = arith.constant 352 : index
    %get3A_439 = arith.constant 0 : index
    %get3A_440 = vector.load %arg0[%get3A_438, %get3A_439] : memref<512x128xf32, #tpu.memory_space<vmem>>, vector<8x128xf32>
    %get3A_441 = arith.constant 0 : index
    %get3A_442 = arith.constant 44 : index
    %get3A_443 = vector.load %arg1[%get3A_441, %get3A_442] : memref<1x128xf32, #tpu.memory_space<vmem>>, vector<1x1xf32>
    %get3A_444 = vector.extract %get3A_443[0, 0] : f32 from vector<1x1xf32>
    %mul3A_445 = vector.broadcast %get3A_444 : f32 to vector<8x128xf32>
    %mul3A_446 = arith.mulf %get3A_440, %mul3A_445 : vector<8x128xf32>
    %add3A_447 = arith.addf %add3A_437, %mul3A_446 : vector<8x128xf32>
    %get3A_448 = arith.constant 360 : index
    %get3A_449 = arith.constant 0 : index
    %get3A_450 = vector.load %arg0[%get3A_448, %get3A_449] : memref<512x128xf32, #tpu.memory_space<vmem>>, vector<8x128xf32>
    %get3A_451 = arith.constant 0 : index
    %get3A_452 = arith.constant 45 : index
    %get3A_453 = vector.load %arg1[%get3A_451, %get3A_452] : memref<1x128xf32, #tpu.memory_space<vmem>>, vector<1x1xf32>
    %get3A_454 = vector.extract %get3A_453[0, 0] : f32 from vector<1x1xf32>
    %mul3A_455 = vector.broadcast %get3A_454 : f32 to vector<8x128xf32>
    %mul3A_456 = arith.mulf %get3A_450, %mul3A_455 : vector<8x128xf32>
    %add3A_457 = arith.addf %add3A_447, %mul3A_456 : vector<8x128xf32>
    %get3A_458 = arith.constant 368 : index
    %get3A_459 = arith.constant 0 : index
    %get3A_460 = vector.load %arg0[%get3A_458, %get3A_459] : memref<512x128xf32, #tpu.memory_space<vmem>>, vector<8x128xf32>
    %get3A_461 = arith.constant 0 : index
    %get3A_462 = arith.constant 46 : index
    %get3A_463 = vector.load %arg1[%get3A_461, %get3A_462] : memref<1x128xf32, #tpu.memory_space<vmem>>, vector<1x1xf32>
    %get3A_464 = vector.extract %get3A_463[0, 0] : f32 from vector<1x1xf32>
    %mul3A_465 = vector.broadcast %get3A_464 : f32 to vector<8x128xf32>
    %mul3A_466 = arith.mulf %get3A_460, %mul3A_465 : vector<8x128xf32>
    %add3A_467 = arith.addf %add3A_457, %mul3A_466 : vector<8x128xf32>
    %get3A_468 = arith.constant 376 : index
    %get3A_469 = arith.constant 0 : index
    %get3A_470 = vector.load %arg0[%get3A_468, %get3A_469] : memref<512x128xf32, #tpu.memory_space<vmem>>, vector<8x128xf32>
    %get3A_471 = arith.constant 0 : index
    %get3A_472 = arith.constant 47 : index
    %get3A_473 = vector.load %arg1[%get3A_471, %get3A_472] : memref<1x128xf32, #tpu.memory_space<vmem>>, vector<1x1xf32>
    %get3A_474 = vector.extract %get3A_473[0, 0] : f32 from vector<1x1xf32>
    %mul3A_475 = vector.broadcast %get3A_474 : f32 to vector<8x128xf32>
    %mul3A_476 = arith.mulf %get3A_470, %mul3A_475 : vector<8x128xf32>
    %add3A_477 = arith.addf %add3A_467, %mul3A_476 : vector<8x128xf32>
    %get3A_478 = arith.constant 384 : index
    %get3A_479 = arith.constant 0 : index
    %get3A_480 = vector.load %arg0[%get3A_478, %get3A_479] : memref<512x128xf32, #tpu.memory_space<vmem>>, vector<8x128xf32>
    %get3A_481 = arith.constant 0 : index
    %get3A_482 = arith.constant 48 : index
    %get3A_483 = vector.load %arg1[%get3A_481, %get3A_482] : memref<1x128xf32, #tpu.memory_space<vmem>>, vector<1x1xf32>
    %get3A_484 = vector.extract %get3A_483[0, 0] : f32 from vector<1x1xf32>
    %mul3A_485 = vector.broadcast %get3A_484 : f32 to vector<8x128xf32>
    %mul3A_486 = arith.mulf %get3A_480, %mul3A_485 : vector<8x128xf32>
    %add3A_487 = arith.addf %add3A_477, %mul3A_486 : vector<8x128xf32>
    %get3A_488 = arith.constant 392 : index
    %get3A_489 = arith.constant 0 : index
    %get3A_490 = vector.load %arg0[%get3A_488, %get3A_489] : memref<512x128xf32, #tpu.memory_space<vmem>>, vector<8x128xf32>
    %get3A_491 = arith.constant 0 : index
    %get3A_492 = arith.constant 49 : index
    %get3A_493 = vector.load %arg1[%get3A_491, %get3A_492] : memref<1x128xf32, #tpu.memory_space<vmem>>, vector<1x1xf32>
    %get3A_494 = vector.extract %get3A_493[0, 0] : f32 from vector<1x1xf32>
    %mul3A_495 = vector.broadcast %get3A_494 : f32 to vector<8x128xf32>
    %mul3A_496 = arith.mulf %get3A_490, %mul3A_495 : vector<8x128xf32>
    %add3A_497 = arith.addf %add3A_487, %mul3A_496 : vector<8x128xf32>
    %get3A_498 = arith.constant 400 : index
    %get3A_499 = arith.constant 0 : index
    %get3A_500 = vector.load %arg0[%get3A_498, %get3A_499] : memref<512x128xf32, #tpu.memory_space<vmem>>, vector<8x128xf32>
    %get3A_501 = arith.constant 0 : index
    %get3A_502 = arith.constant 50 : index
    %get3A_503 = vector.load %arg1[%get3A_501, %get3A_502] : memref<1x128xf32, #tpu.memory_space<vmem>>, vector<1x1xf32>
    %get3A_504 = vector.extract %get3A_503[0, 0] : f32 from vector<1x1xf32>
    %mul3A_505 = vector.broadcast %get3A_504 : f32 to vector<8x128xf32>
    %mul3A_506 = arith.mulf %get3A_500, %mul3A_505 : vector<8x128xf32>
    %add3A_507 = arith.addf %add3A_497, %mul3A_506 : vector<8x128xf32>
    %get3A_508 = arith.constant 408 : index
    %get3A_509 = arith.constant 0 : index
    %get3A_510 = vector.load %arg0[%get3A_508, %get3A_509] : memref<512x128xf32, #tpu.memory_space<vmem>>, vector<8x128xf32>
    %get3A_511 = arith.constant 0 : index
    %get3A_512 = arith.constant 51 : index
    %get3A_513 = vector.load %arg1[%get3A_511, %get3A_512] : memref<1x128xf32, #tpu.memory_space<vmem>>, vector<1x1xf32>
    %get3A_514 = vector.extract %get3A_513[0, 0] : f32 from vector<1x1xf32>
    %mul3A_515 = vector.broadcast %get3A_514 : f32 to vector<8x128xf32>
    %mul3A_516 = arith.mulf %get3A_510, %mul3A_515 : vector<8x128xf32>
    %add3A_517 = arith.addf %add3A_507, %mul3A_516 : vector<8x128xf32>
    %get3A_518 = arith.constant 416 : index
    %get3A_519 = arith.constant 0 : index
    %get3A_520 = vector.load %arg0[%get3A_518, %get3A_519] : memref<512x128xf32, #tpu.memory_space<vmem>>, vector<8x128xf32>
    %get3A_521 = arith.constant 0 : index
    %get3A_522 = arith.constant 52 : index
    %get3A_523 = vector.load %arg1[%get3A_521, %get3A_522] : memref<1x128xf32, #tpu.memory_space<vmem>>, vector<1x1xf32>
    %get3A_524 = vector.extract %get3A_523[0, 0] : f32 from vector<1x1xf32>
    %mul3A_525 = vector.broadcast %get3A_524 : f32 to vector<8x128xf32>
    %mul3A_526 = arith.mulf %get3A_520, %mul3A_525 : vector<8x128xf32>
    %add3A_527 = arith.addf %add3A_517, %mul3A_526 : vector<8x128xf32>
    %get3A_528 = arith.constant 424 : index
    %get3A_529 = arith.constant 0 : index
    %get3A_530 = vector.load %arg0[%get3A_528, %get3A_529] : memref<512x128xf32, #tpu.memory_space<vmem>>, vector<8x128xf32>
    %get3A_531 = arith.constant 0 : index
    %get3A_532 = arith.constant 53 : index
    %get3A_533 = vector.load %arg1[%get3A_531, %get3A_532] : memref<1x128xf32, #tpu.memory_space<vmem>>, vector<1x1xf32>
    %get3A_534 = vector.extract %get3A_533[0, 0] : f32 from vector<1x1xf32>
    %mul3A_535 = vector.broadcast %get3A_534 : f32 to vector<8x128xf32>
    %mul3A_536 = arith.mulf %get3A_530, %mul3A_535 : vector<8x128xf32>
    %add3A_537 = arith.addf %add3A_527, %mul3A_536 : vector<8x128xf32>
    %get3A_538 = arith.constant 432 : index
    %get3A_539 = arith.constant 0 : index
    %get3A_540 = vector.load %arg0[%get3A_538, %get3A_539] : memref<512x128xf32, #tpu.memory_space<vmem>>, vector<8x128xf32>
    %get3A_541 = arith.constant 0 : index
    %get3A_542 = arith.constant 54 : index
    %get3A_543 = vector.load %arg1[%get3A_541, %get3A_542] : memref<1x128xf32, #tpu.memory_space<vmem>>, vector<1x1xf32>
    %get3A_544 = vector.extract %get3A_543[0, 0] : f32 from vector<1x1xf32>
    %mul3A_545 = vector.broadcast %get3A_544 : f32 to vector<8x128xf32>
    %mul3A_546 = arith.mulf %get3A_540, %mul3A_545 : vector<8x128xf32>
    %add3A_547 = arith.addf %add3A_537, %mul3A_546 : vector<8x128xf32>
    %get3A_548 = arith.constant 440 : index
    %get3A_549 = arith.constant 0 : index
    %get3A_550 = vector.load %arg0[%get3A_548, %get3A_549] : memref<512x128xf32, #tpu.memory_space<vmem>>, vector<8x128xf32>
    %get3A_551 = arith.constant 0 : index
    %get3A_552 = arith.constant 55 : index
    %get3A_553 = vector.load %arg1[%get3A_551, %get3A_552] : memref<1x128xf32, #tpu.memory_space<vmem>>, vector<1x1xf32>
    %get3A_554 = vector.extract %get3A_553[0, 0] : f32 from vector<1x1xf32>
    %mul3A_555 = vector.broadcast %get3A_554 : f32 to vector<8x128xf32>
    %mul3A_556 = arith.mulf %get3A_550, %mul3A_555 : vector<8x128xf32>
    %add3A_557 = arith.addf %add3A_547, %mul3A_556 : vector<8x128xf32>
    %get3A_558 = arith.constant 448 : index
    %get3A_559 = arith.constant 0 : index
    %get3A_560 = vector.load %arg0[%get3A_558, %get3A_559] : memref<512x128xf32, #tpu.memory_space<vmem>>, vector<8x128xf32>
    %get3A_561 = arith.constant 0 : index
    %get3A_562 = arith.constant 56 : index
    %get3A_563 = vector.load %arg1[%get3A_561, %get3A_562] : memref<1x128xf32, #tpu.memory_space<vmem>>, vector<1x1xf32>
    %get3A_564 = vector.extract %get3A_563[0, 0] : f32 from vector<1x1xf32>
    %mul3A_565 = vector.broadcast %get3A_564 : f32 to vector<8x128xf32>
    %mul3A_566 = arith.mulf %get3A_560, %mul3A_565 : vector<8x128xf32>
    %add3A_567 = arith.addf %add3A_557, %mul3A_566 : vector<8x128xf32>
    %get3A_568 = arith.constant 456 : index
    %get3A_569 = arith.constant 0 : index
    %get3A_570 = vector.load %arg0[%get3A_568, %get3A_569] : memref<512x128xf32, #tpu.memory_space<vmem>>, vector<8x128xf32>
    %get3A_571 = arith.constant 0 : index
    %get3A_572 = arith.constant 57 : index
    %get3A_573 = vector.load %arg1[%get3A_571, %get3A_572] : memref<1x128xf32, #tpu.memory_space<vmem>>, vector<1x1xf32>
    %get3A_574 = vector.extract %get3A_573[0, 0] : f32 from vector<1x1xf32>
    %mul3A_575 = vector.broadcast %get3A_574 : f32 to vector<8x128xf32>
    %mul3A_576 = arith.mulf %get3A_570, %mul3A_575 : vector<8x128xf32>
    %add3A_577 = arith.addf %add3A_567, %mul3A_576 : vector<8x128xf32>
    %get3A_578 = arith.constant 464 : index
    %get3A_579 = arith.constant 0 : index
    %get3A_580 = vector.load %arg0[%get3A_578, %get3A_579] : memref<512x128xf32, #tpu.memory_space<vmem>>, vector<8x128xf32>
    %get3A_581 = arith.constant 0 : index
    %get3A_582 = arith.constant 58 : index
    %get3A_583 = vector.load %arg1[%get3A_581, %get3A_582] : memref<1x128xf32, #tpu.memory_space<vmem>>, vector<1x1xf32>
    %get3A_584 = vector.extract %get3A_583[0, 0] : f32 from vector<1x1xf32>
    %mul3A_585 = vector.broadcast %get3A_584 : f32 to vector<8x128xf32>
    %mul3A_586 = arith.mulf %get3A_580, %mul3A_585 : vector<8x128xf32>
    %add3A_587 = arith.addf %add3A_577, %mul3A_586 : vector<8x128xf32>
    %get3A_588 = arith.constant 472 : index
    %get3A_589 = arith.constant 0 : index
    %get3A_590 = vector.load %arg0[%get3A_588, %get3A_589] : memref<512x128xf32, #tpu.memory_space<vmem>>, vector<8x128xf32>
    %get3A_591 = arith.constant 0 : index
    %get3A_592 = arith.constant 59 : index
    %get3A_593 = vector.load %arg1[%get3A_591, %get3A_592] : memref<1x128xf32, #tpu.memory_space<vmem>>, vector<1x1xf32>
    %get3A_594 = vector.extract %get3A_593[0, 0] : f32 from vector<1x1xf32>
    %mul3A_595 = vector.broadcast %get3A_594 : f32 to vector<8x128xf32>
    %mul3A_596 = arith.mulf %get3A_590, %mul3A_595 : vector<8x128xf32>
    %add3A_597 = arith.addf %add3A_587, %mul3A_596 : vector<8x128xf32>
    %get3A_598 = arith.constant 480 : index
    %get3A_599 = arith.constant 0 : index
    %get3A_600 = vector.load %arg0[%get3A_598, %get3A_599] : memref<512x128xf32, #tpu.memory_space<vmem>>, vector<8x128xf32>
    %get3A_601 = arith.constant 0 : index
    %get3A_602 = arith.constant 60 : index
    %get3A_603 = vector.load %arg1[%get3A_601, %get3A_602] : memref<1x128xf32, #tpu.memory_space<vmem>>, vector<1x1xf32>
    %get3A_604 = vector.extract %get3A_603[0, 0] : f32 from vector<1x1xf32>
    %mul3A_605 = vector.broadcast %get3A_604 : f32 to vector<8x128xf32>
    %mul3A_606 = arith.mulf %get3A_600, %mul3A_605 : vector<8x128xf32>
    %add3A_607 = arith.addf %add3A_597, %mul3A_606 : vector<8x128xf32>
    %get3A_608 = arith.constant 488 : index
    %get3A_609 = arith.constant 0 : index
    %get3A_610 = vector.load %arg0[%get3A_608, %get3A_609] : memref<512x128xf32, #tpu.memory_space<vmem>>, vector<8x128xf32>
    %get3A_611 = arith.constant 0 : index
    %get3A_612 = arith.constant 61 : index
    %get3A_613 = vector.load %arg1[%get3A_611, %get3A_612] : memref<1x128xf32, #tpu.memory_space<vmem>>, vector<1x1xf32>
    %get3A_614 = vector.extract %get3A_613[0, 0] : f32 from vector<1x1xf32>
    %mul3A_615 = vector.broadcast %get3A_614 : f32 to vector<8x128xf32>
    %mul3A_616 = arith.mulf %get3A_610, %mul3A_615 : vector<8x128xf32>
    %add3A_617 = arith.addf %add3A_607, %mul3A_616 : vector<8x128xf32>
    %get3A_618 = arith.constant 496 : index
    %get3A_619 = arith.constant 0 : index
    %get3A_620 = vector.load %arg0[%get3A_618, %get3A_619] : memref<512x128xf32, #tpu.memory_space<vmem>>, vector<8x128xf32>
    %get3A_621 = arith.constant 0 : index
    %get3A_622 = arith.constant 62 : index
    %get3A_623 = vector.load %arg1[%get3A_621, %get3A_622] : memref<1x128xf32, #tpu.memory_space<vmem>>, vector<1x1xf32>
    %get3A_624 = vector.extract %get3A_623[0, 0] : f32 from vector<1x1xf32>
    %mul3A_625 = vector.broadcast %get3A_624 : f32 to vector<8x128xf32>
    %mul3A_626 = arith.mulf %get3A_620, %mul3A_625 : vector<8x128xf32>
    %add3A_627 = arith.addf %add3A_617, %mul3A_626 : vector<8x128xf32>
    %get3A_628 = arith.constant 504 : index
    %get3A_629 = arith.constant 0 : index
    %get3A_630 = vector.load %arg0[%get3A_628, %get3A_629] : memref<512x128xf32, #tpu.memory_space<vmem>>, vector<8x128xf32>
    %get3A_631 = arith.constant 0 : index
    %get3A_632 = arith.constant 63 : index
    %get3A_633 = vector.load %arg1[%get3A_631, %get3A_632] : memref<1x128xf32, #tpu.memory_space<vmem>>, vector<1x1xf32>
    %get3A_634 = vector.extract %get3A_633[0, 0] : f32 from vector<1x1xf32>
    %mul3A_635 = vector.broadcast %get3A_634 : f32 to vector<8x128xf32>
    %mul3A_636 = arith.mulf %get3A_630, %mul3A_635 : vector<8x128xf32>
    %add3A_637 = arith.addf %add3A_627, %mul3A_636 : vector<8x128xf32>
    %swap3A = arith.constant 0 : index
    %swap3A_638 = arith.constant 0 : index
    %swap3A_639 = vector.load %arg2[%swap3A, %swap3A_638] : memref<8x128xf32, #tpu.memory_space<vmem>>, vector<8x128xf32>
    tpu.vector_store %arg2[%swap3A, %swap3A_638], %add3A_637 {strides = array<i32>} : memref<8x128xf32, #tpu.memory_space<vmem>>, vector<8x128xf32>,
    %bitcast_convert_type3A = tpu.bitcast %add3A_637 : vector<8x128xf32> -> vector<8x128xi32>
    %lt3A = arith.constant 0 : i32
    %lt3A_640 = vector.broadcast %lt3A : i32 to vector<8x128xi32>
    %lt3A_641 = arith.cmpi slt, %bitcast_convert_type3A, %lt3A_640 : vector<8x128xi32>
    %jit3A = arith.constant -1 : i32
    %jit3A_642 = arith.constant -2147483648 : i32
    %broadcast_in_dim3A_643 = vector.broadcast %jit3A : i32 to vector<8x128xi32>
    %broadcast_in_dim3A_644 = vector.broadcast %jit3A_642 : i32 to vector<8x128xi32>
    %select_n3A = arith.select %lt3A_641, %broadcast_in_dim3A_643, %broadcast_in_dim3A_644 : vector<8x128xi1>, vector<8x128xi32>
    %xor3A = arith.xori %bitcast_convert_type3A, %select_n3A : vector<8x128xi32>
    %iota3A = tpu.iota {dimensions = array<i32: 0>} : vector<8x128xi32>
    %iota3A_645 = tpu.iota {dimensions = array<i32: 1>} : vector<8x128xi32>
    %mul3A_646 = arith.constant 128 : i32
    %mul3A_647 = vector.broadcast %mul3A_646 : i32 to vector<8x128xi32>
    %mul3A_648 = arith.muli %iota3A, %mul3A_647 : vector<8x128xi32>
    %add3A_649 = arith.addi %mul3A_648, %iota3A_645 : vector<8x128xi32>
    %lt3A_650 = arith.constant 100 : i32
    %lt3A_651 = vector.broadcast %lt3A_650 : i32 to vector<8x128xi32>
    %lt3A_652 = arith.cmpi slt, %add3A_649, %lt3A_651 : vector<8x128xi32>
    %jit3A_653 = arith.constant 0 : i32
    %broadcast_in_dim3A_654 = vector.broadcast %jit3A_653 : i32 to vector<8x128xi32>
    %select_n3A_655 = arith.select %lt3A_652, %xor3A, %broadcast_in_dim3A_654 : vector<8x128xi1>, vector<8x128xi32>
    %scan3A = arith.constant 0 : i32
    %scan3A_656 = arith.constant 0 : i32
    %scan3A_657 = arith.constant 32 : i32
    %scan3A_658 = arith.addi %scan3A_656, %scan3A_657 : i32
    %scan3A_659 = arith.constant 1 : i32
    %scan3A_660 = scf.for %scan3A_666 = %scan3A_656 to %scan3A_658 step %scan3A_659 iter_args(%scan3A_667 = %scan3A) -> (i32)  : i32 {
      %sub3A = arith.constant 31 : i32
      %sub3A_668 = arith.subi %sub3A, %scan3A_666 : i32
      %shift_left3A = arith.constant 1 : i32
      %shift_left3A_669 = arith.shli %shift_left3A, %sub3A_668 : i32
      %or3A = arith.ori %scan3A_667, %shift_left3A_669 : i32
      %ge3A = vector.broadcast %or3A : i32 to vector<8x128xi32>
      %ge3A_670 = arith.cmpi uge, %select_n3A_655, %ge3A : vector<8x128xi32>
      %jit3A_671 = arith.constant 1 : i32
      %jit3A_672 = arith.constant 0 : i32
      %broadcast_in_dim3A_673 = vector.broadcast %jit3A_671 : i32 to vector<8x128xi32>
      %broadcast_in_dim3A_674 = vector.broadcast %jit3A_672 : i32 to vector<8x128xi32>
      %select_n3A_675 = arith.select %ge3A_670, %broadcast_in_dim3A_673, %broadcast_in_dim3A_674 : vector<8x128xi1>, vector<8x128xi32>
      %reduce_sum3A = vector.shape_cast %select_n3A_675 : vector<8x128xi32> to vector<1x8x128xi32>
      %reduce_sum3A_676 = arith.constant dense<0> : vector<1xi32>
      %reduce_sum3A_677 = vector.multi_reduction <add>, %reduce_sum3A, %reduce_sum3A_676 [1, 2] : vector<1x8x128xi32> to vector<1xi32>
      %reduce_sum3A_678 = vector.shape_cast %reduce_sum3A_677 : vector<1xi32> to vector<1x1x1xi32>
      %reduce_sum3A_679 = vector.extract %reduce_sum3A_678[0, 0, 0] : i32 from vector<1x1x1xi32>
      %ge3A_680 = arith.constant 10 : i32
      %ge3A_681 = arith.cmpi sge, %reduce_sum3A_679, %ge3A_680 : i32
      %select_n3A_682 = arith.select %ge3A_681, %or3A, %scan3A_667 : i32
      scf.yield %select_n3A_682 : i32
    }
    %scan3A_661 = arith.constant 32 : i32
    %broadcast_in_dim3A_662 = vector.broadcast %scan3A_660 : i32 to vector<1x1xi32>
    %swap3A_663 = arith.constant 0 : index
    %swap3A_664 = arith.constant 0 : index
    %swap3A_665 = vector.load %arg3[%swap3A_663, %swap3A_664] : memref<1x1xi32, #tpu.memory_space<vmem>>, vector<1x1xi32>
    tpu.vector_store %arg3[%swap3A_663, %swap3A_664], %broadcast_in_dim3A_662 {strides = array<i32>} : memref<1x1xi32, #tpu.memory_space<vmem>>, vector<1x1xi32>,
    return
  }
}

module attributes {stable_mosaic.version = 14 : i64} {
  func.func @_scale_kernel(%arg0: memref<10x64xf32, #tpu.memory_space<vmem>>, %arg1: memref<10x1xf32, #tpu.memory_space<vmem>>, %arg2: memref<10x64xf32, #tpu.memory_space<vmem>>) attributes {dimension_semantics = [], scalar_prefetch = 0 : i64, scratch_operands = 0 : i64, tpu.core_type = #tpu.core_type<tc>} {
    %get3A = arith.constant 0 : index
    %get3A_0 = arith.constant 0 : index
    %get3A_1 = vector.load %arg0[%get3A, %get3A_0] : memref<10x64xf32, #tpu.memory_space<vmem>>, vector<10x64xf32>
    %get3A_2 = arith.constant 0 : index
    %get3A_3 = arith.constant 0 : index
    %get3A_4 = vector.load %arg1[%get3A_2, %get3A_3] : memref<10x1xf32, #tpu.memory_space<vmem>>, vector<10x1xf32>
    %tanh3A = math.tanh %get3A_4 : vector<10x1xf32>
    %mul3A = vector.broadcast %tanh3A : vector<10x1xf32> to vector<10x64xf32>
    %mul3A_5 = arith.mulf %get3A_1, %mul3A : vector<10x64xf32>
    %swap3A = arith.constant 0 : index
    %swap3A_6 = arith.constant 0 : index
    %swap3A_7 = vector.load %arg2[%swap3A, %swap3A_6] : memref<10x64xf32, #tpu.memory_space<vmem>>, vector<10x64xf32>
    tpu.vector_store %arg2[%swap3A, %swap3A_6], %mul3A_5 {strides = array<i32>} : memref<10x64xf32, #tpu.memory_space<vmem>>, vector<10x64xf32>,
    return
  }
}

module attributes {stable_mosaic.version = 14 : i64} {
  func.func @_matmul_kernel(%arg0: memref<10x64xf32, #tpu.memory_space<vmem>>, %arg1: memref<8x64xf32, #tpu.memory_space<vmem>>, %arg2: memref<1x8xf32, #tpu.memory_space<vmem>>, %arg3: memref<10x8xf32, #tpu.memory_space<vmem>>) attributes {dimension_semantics = [], scalar_prefetch = 0 : i64, scratch_operands = 0 : i64, tpu.core_type = #tpu.core_type<tc>} {
    %get3A = arith.constant 0 : index
    %get3A_0 = arith.constant 0 : index
    %get3A_1 = vector.load %arg0[%get3A, %get3A_0] : memref<10x64xf32, #tpu.memory_space<vmem>>, vector<10x64xf32>
    %get3A_2 = arith.constant 0 : index
    %get3A_3 = arith.constant 0 : index
    %get3A_4 = vector.load %arg1[%get3A_2, %get3A_3] : memref<8x64xf32, #tpu.memory_space<vmem>>, vector<8x64xf32>
    %transpose3A = tpu.transpose %get3A_4, [1, 0] : vector<8x64xf32> -> vector<64x8xf32>
    %dot_general3A = arith.constant dense<0.000000e+00> : vector<10x8xf32>
    %dot_general3A_5 = tpu.matmul %get3A_1, %transpose3A, %dot_general3A {dimension_numbers = #tpu.dot_dimension_numbers<[1], [0], [0], [1], [0, 0, 1, 1], [], []>, transpose_lhs_hint = false} : vector<10x64xf32>, vector<64x8xf32>, vector<10x8xf32> -> vector<10x8xf32>
    %get3A_6 = arith.constant 0 : index
    %get3A_7 = arith.constant 0 : index
    %get3A_8 = vector.load %arg2[%get3A_6, %get3A_7] : memref<1x8xf32, #tpu.memory_space<vmem>>, vector<1x8xf32>
    %add3A = vector.broadcast %get3A_8 : vector<1x8xf32> to vector<10x8xf32>
    %add3A_9 = arith.addf %dot_general3A_5, %add3A : vector<10x8xf32>
    %swap3A = arith.constant 0 : index
    %swap3A_10 = arith.constant 0 : index
    %swap3A_11 = vector.load %arg3[%swap3A, %swap3A_10] : memref<10x8xf32, #tpu.memory_space<vmem>>, vector<10x8xf32>
    tpu.vector_store %arg3[%swap3A, %swap3A_10], %add3A_9 {strides = array<i32>} : memref<10x8xf32, #tpu.memory_space<vmem>>, vector<10x8xf32>,
    return
  }
}

</mosaic_0001>

<sc_bundles>
// kernel: scatter_offload_async_start.1
scs
__scs_entry_jumppad:
0x0: {  	(pc) =	sbr.rel $0x88, $3  }
0x1: {  	(tag) =	ssettag $0x0;
	lr =	simm.s32 $0x1  }
0x2: {  	[smem:$0x3F99] =	sst lr;
	_ =	strace $0xD0000000  }
0x3: {  	_ = 	snop  }
0x4: {  	_ = 	snop  }
0x5: {  	_ = 	snop  }
0x6: {  	_ = 	snop  }
0x7: {  	_ = 	snop  }
__scs_overlays_trampoline_lowered:
0x8: {  	[smem:$0x3FA8] =	sst s0  }
0x9: {  	[smem:$0x3FA9] =	sst s1  }
0xa: {  	[smem:$0x3FAA] =	sst s2  }
0xb: {  	[smem:$0x3FAB] =	sst s3  }
0xc: {  	[smem:$0x3FAC] =	sst s4  }
0xd: {  	[smem:$0x3FAD] =	sst s5  }
0xe: {  	[smem:$0x3FAE] =	sst s6  }
0xf: {  	[smem:$0x3FAF] =	sst s7  }
0x10: {  	[smem:$0x3FB0] =	sst s8  }
0x11: {  	[smem:$0x3FB1] =	sst s9;
	s0 =	simm.s32 @!p0 $0x0  }
0x12: {  	s1 =	sld [smem:$0x3F97];
	s0 =	simm.s32 @p0 $0x1  }
0x13: {  	[smem:$0x3FB2] =	sst s0;
	s0 =	simm.s32 @!p1 $0x0  }
0x14: {  	s2 =	sld [smem:$0x3F96];
	s0 =	simm.s32 @p1 $0x1  }
0x15: {  	[smem:$0x3FB3] =	sst s0;
	s0 =	simm.s32 @!p2 $0x0  }
0x16: {  	s3 =	sld [smem:$0x3FDB];
	s0 =	simm.s32 @p2 $0x1  }
0x17: {  	s4 =	simm.s32 $0x1BF5;
	[smem:$0x3FB5] =	sst s0  }
0x18: {  	s0 =	sld [smem:$0x3F98];
	_ =	swait.ge [sflag:s4], $0x0  }
0x19: {  	s7 =	sld [smem:$0x3F99]  }
0x1a: {  	s8 =	sadd.s32 $0xFFFFE003, lr  }
0x1b: {  	s9 =	sadd.s32 $0xFFFFFEF7, lr;
	s5 =	simm.s32 $0xFFFFFFFF;
	p2 =	slt.u32 s8, $0xFFFFF086  }
0x1c: {  	p1 =	slt.u32 s9, $0xF7A;
	s5 =	simm.s32 @!p2 $0x0  }
0x1d: {  	s5 =	simm.s32 @p1 $0x1;
	p0 =	seq.s32 s7, s2  }
0x1e: {  	s7 =	smul.u32 @!p0 $0xF7A, s2;
	p2 =	seq.s32 @!p0 s5, $0x0  }
0x1f: {  	s9 =	smul.u32 $0xF7A, s1;
	s8 =	simm.s32 @!p0 $0x1BF5;
	p2 =	por !p2, p0  }
0x20: {  	[sflag:s8] =	ssyncset.s32 @!p0 $0xFFFFF086;
	s6 =	sadd.s32 @!p0 s3, s7;
	s7 =	simm.s32 @!p0 $0x108  }
0x21: {  	s3 =	sadd.s32 s3, s9;
	s6 =	sadd.s32 @!p0 $0x88, s6;
	s7 =	simm.s32 @p2 $0x1082  }
0x22: {  	[simem:s7], [sflag:s8] =	dma.local @!p0 [hbm:s6], $0xF7A  }
0x23: {  	s9 =	sor.u32 $0xD0000000, s2;
	s6 =	simm.s32 $0x108;
	_ =	swait.ge @!p0 [sflag:s8], $0x0  }
0x24: {  	s3 =	sadd.s32 $0x88, s3;
	s6 =	simm.s32 @!p1 $0x1082;
	[sflag:s4] =	ssyncset.s32 $0xFFFFF086  }
0x25: {  	[simem:s6], [sflag:s4] =	dma.local [hbm:s3], $0xF7A  }
0x26: {  	[smem:$0x3F99] =	sst s1;
	(tag) =	ssettag s2;
	_ =	strace s9  }
0x27: {  	s1 =	sld [smem:$0x3FA9]  }
0x28: {  	s2 =	sld [smem:$0x3FAA]  }
0x29: {  	s4 =	sld [smem:$0x3FAC]  }
0x2a: {  	p0 =	seq.s32 s5, $0x0;
	s5 =	sld [smem:$0x3FAD]  }
0x2b: {  	s6 =	sld [smem:$0x3FAE]  }
0x2c: {  	s7 =	sld [smem:$0x3FAF]  }
0x2d: {  	s3 =	simm.s32 $0x108;
	s8 =	sld [smem:$0x3FB0]  }
0x2e: {  	s3 =	simm.s32 @!p0 $0x1082;
	s9 =	sld [smem:$0x3FB1]  }
0x2f: {  	lr =	sadd.s32 s0, s3;
	s0 =	sld [smem:$0x3FA8]  }
0x30: {  	s3 =	sld [smem:$0x3FAB]  }
0x31: {  	[smem:$0x3FB4] =	sst s10  }
0x32: {  	s10 =	sld [smem:$0x3FB2];
	_ =	sdelay $0x3  }
0x33: {  	p0 =	seq.s32 s10, $0x1;
	s10 =	sld [smem:$0x3FB4];
	_ =	sdelay $0x3  }
0x34: {  	[smem:$0x3FB4] =	sst s10  }
0x35: {  	s10 =	sld [smem:$0x3FB3];
	_ =	sdelay $0x3  }
0x36: {  	p1 =	seq.s32 s10, $0x1;
	s10 =	sld [smem:$0x3FB4];
	_ =	sdelay $0x3  }
0x37: {  	[smem:$0x3FB4] =	sst s10  }
0x38: {  	s10 =	sld [smem:$0x3FB5]  }
0x39: {  	_ = 	snop;
	(pc) =	sbr.ind lr, $3  }
0x3a: {  	_ = 	snop  }
0x3b: {  	_ = 	snop  }
0x3c: {  	p2 =	seq.s32 s10, $0x1;
	s10 =	sld [smem:$0x3FB4]  }
0x3d: {  	_ =	shalt  }
0x3e: {  	_ =	shalt  }
0x3f: {  	_ =	shalt  }
0x40: {  	_ =	shalt  }
0x41: {  	_ =	shalt  }
0x42: {  	_ =	shalt  }
0x43: {  	_ =	shalt  }
0x44: {  	_ =	shalt  }
0x45: {  	_ =	shalt  }
0x46: {  	_ =	shalt  }
0x47: {  	_ =	shalt  }
0x48: {  	_ =	shalt  }
0x49: {  	_ =	shalt  }
0x4a: {  	_ =	shalt  }
0x4b: {  	_ =	shalt  }
0x4c: {  	_ =	shalt  }
0x4d: {  	_ =	shalt  }
0x4e: {  	_ =	shalt  }
0x4f: {  	_ =	shalt  }
0x50: {  	_ =	shalt  }
0x51: {  	_ =	shalt  }
0x52: {  	_ =	shalt  }
0x53: {  	_ =	shalt  }
0x54: {  	_ =	shalt  }
0x55: {  	_ =	shalt  }
0x56: {  	_ =	shalt  }
0x57: {  	_ =	shalt  }
0x58: {  	_ =	shalt  }
0x59: {  	_ =	shalt  }
0x5a: {  	_ =	shalt  }
0x5b: {  	_ =	shalt  }
0x5c: {  	_ =	shalt  }
0x5d: {  	_ =	shalt  }
0x5e: {  	_ =	shalt  }
0x5f: {  	_ =	shalt  }
0x60: {  	_ =	shalt  }
0x61: {  	_ =	shalt  }
0x62: {  	_ =	shalt  }
0x63: {  	_ =	shalt  }
0x64: {  	_ =	shalt  }
0x65: {  	_ =	shalt  }
0x66: {  	_ =	shalt  }
0x67: {  	_ =	shalt  }
0x68: {  	_ =	shalt  }
0x69: {  	_ =	shalt  }
0x6a: {  	_ =	shalt  }
0x6b: {  	_ =	shalt  }
0x6c: {  	_ =	shalt  }
0x6d: {  	_ =	shalt  }
0x6e: {  	_ =	shalt  }
0x6f: {  	_ =	shalt  }
0x70: {  	_ =	shalt  }
0x71: {  	_ =	shalt  }
0x72: {  	_ =	shalt  }
0x73: {  	_ =	shalt  }
0x74: {  	_ =	shalt  }
0x75: {  	_ =	shalt  }
0x76: {  	_ =	shalt  }
0x77: {  	_ =	shalt  }
0x78: {  	_ =	shalt  }
0x79: {  	_ =	shalt  }
0x7a: {  	_ =	shalt  }
0x7b: {  	_ =	shalt  }
0x7c: {  	_ =	shalt  }
0x7d: {  	_ =	shalt  }
0x7e: {  	_ =	shalt  }
0x7f: {  	_ =	shalt  }
0x80: {  	_ =	shalt  }
0x81: {  	_ =	shalt  }
0x82: {  	_ =	shalt  }
0x83: {  	_ =	shalt  }
0x84: {  	_ =	shalt  }
0x85: {  	_ =	shalt  }
0x86: {  	_ =	shalt  }
0x87: {  	_ =	shalt  }
.Lfunc_end0:
.L_simem_size_0:
called_computation.1_lowered:
.L_overlay_start_0:
0x88: {  	s0 =	sld [smem:$0x3FD9]  }
0x89: {  	s1 =	sld [smem:$0x3FFE];
	_ =	sdelay $0x3  }
0x8a: {  	s0 =	sadd.s32 s1, s0  }
0x8b: {  	[smem:$0x3FC0] =	sst s0  }
0x8c: {  	_ = 	snop  }
0x8d: {  	s14 =	sld [smem:$0x3FD0];
	(tm) =	ssettm $0x1  }
0x8e: {  	s15 =	sld [smem:$0x3FFB];
	_ =	sdelay $0x3  }
0x8f: {  	_ =	strace s15  }
0x90: {  	s0 =	sld [smem:$0x3FFC];
	_ =	sdelay $0x3  }
0x91: {  	_ =	strace s0  }
0x92: {  	s0 =	sld [smem:$0x3FFD];
	_ =	sdelay $0x3  }
0x93: {  	_ =	strace s0  }
0x94: {  	_ =	strace $0x8FFFFFFF  }
0x95: {  	s16 =	sld [smem:$0x3FDB];
	_ =	sdelay $0x1  }
0x96: {  	s2 =	simm.s32 $_scs_section_size  }
0x97: {  	s3 =	simm.s32 $_size__tile_overlayer_lowered;
	s4 =	simm.s32 $_tile_overlayer_lowered  }
0x98: {  	s5 =	simm.s32 $0x1BFF;
	s17 =	sshll.u32 s4, $0x1;
	s2 =	sadd.s32 s2, s16  }
0x99: {  	s18 =	simm.s32 $0x0;
	s3 =	sshll.u32 s3, $0x1;
	s4 =	sadd.s32 s17, s2  }
0x9a: {  	[timem:s18], [sflag:s5] =	dma.local [hbm:s4], s3  }
0x9b: {  	_ =	swait.ge [sflag:s5], s3  }
0x9c: {  	s3 =	ssub.s32 $0x0, s3;
	[sflag:s5] =	ssyncset.done $0x0  }
0x9d: {  	[sflag:s5] =	ssyncadd.s32 s3;
	_ =	sdelay $0x1  }
0x9e: {  	s19 =	simm.s32 $0x1B8B  }
0x9f: {  	_ =	swait.ge [sflag:s19], $0x1  }
0xa0: {  	[sflag:s19] =	ssyncset.done $0x0  }
0xa1: {  	s21 =	simm.s32 $0x1B8E;
	s20 =	sld [smem:$0x3FFE];
	[sflag:s19] =	ssyncadd.s32 $0xFFFFFFFF  }
0xa2: {  	s22 =	simm.s32 $execute0_lowered;
	[smem:$0x3FD2] =	sst s21  }
0xa3: {  	s4 =	sshll.u32 s22, $0x1;
	_ =	strace $0x80000046;
	[dreg:$0x1] =	wrdreg $0xFFFFFFFF  }
0xa4: {  	s23 =	simm.s32 $_size_execute0_lowered;
	s4 =	sadd.s32 s2, s4;
	[dreg:$0x0] =	wrdreg $0x0  }
0xa5: {  	s5 =	sshll.u32 s23, $0x1;
	[dreg:$0x2] =	wrdreg s4  }
0xa6: {  	[dreg:$0x3] =	wrdreg s5  }
0xa7: {  	[dreg:$0x4] =	wrdreg $0xC0  }
0xa8: {  	s24 =	simm.s32 $execute1_lowered;
	_ =	task [dreg:s18], $0x5FFFF  }
0xa9: {  	s4 =	sshll.u32 s24, $0x1;
	[dreg:$0x1] =	wrdreg $0xFFFFFFFF  }
0xaa: {  	s2 =	sadd.s32 s2, s4;
	[dreg:$0x0] =	wrdreg $0x60  }
0xab: {  	[dreg:$0x2] =	wrdreg s2  }
0xac: {  	[dreg:$0x3] =	wrdreg s14  }
0xad: {  	[dreg:$0x4] =	wrdreg s20  }
0xae: {  	[dreg:$0x5] =	wrdreg $0x9  }
0xaf: {  	_ =	task.clear_ibuf [dreg:s18], $0x6FFFF;
	_ =	strace $0x90000046  }
0xb0: {  	s25 =	simm.s32 $0x9;
	_ =	strace $0x80000048  }
0xb1: {  	_ =	swait.ge [sflag:s25], $0x1  }
0xb2: {  	[sflag:s25] =	ssyncadd.s32 $0xFFFFFFFF  }
0xb3: {  	_ =	strace $0x90000048  }
0xb4: {  	_ =	strace $0x80000049;
	[dreg:$0x1] =	wrdreg $0xFFFFFFFF  }
0xb5: {  	[dreg:$0x0] =	wrdreg $0x2030  }
0xb6: {  	[dreg:$0x2] =	wrdreg s20  }
0xb7: {  	[dreg:$0x3] =	wrdreg $0xA  }
0xb8: {  	_ =	task.clear_ibuf [dreg:s18], $0x4FFFF;
	_ =	strace $0x90000049  }
0xb9: {  	s26 =	simm.s32 $0xA;
	_ =	strace $0x8000004B  }
0xba: {  	_ =	swait.ge [sflag:s26], $0x1  }
0xbb: {  	[sflag:s26] =	ssyncadd.s32 $0xFFFFFFFF  }
0xbc: {  	_ =	strace $0x9000004B  }
0xbd: {  	_ =	sfence  }
0xbe: {  	s28 =	sld [smem:$0x0];
	_ =	sdelay $0x1  }
0xbf: {  	s29 =	srdreg.scid  }
0xc0: {  	s30 =	sshll.u32 s29, $0xD;
	s31 =	sshrl.u32 s29, $0x2  }
0xc1: {  	s3 =	sand.u32 $0x4000, s30;
	s2 =	sand.u32 $0x1, s29;
	s1 =	sadd.s32 s31, s28  }
0xc2: {  	s2 =	sor.u32 s3, s2;
	s1 =	sshll.u32 s1, $0x11  }
0xc3: {  	s1 =	sor.u32 s1, s2  }
0xc4: {  	s1 =	sadd.s32 $0x8F2B, s1  }
0xc5: {  	[sflag:s1] =	ssyncadd.remote.s32 $0x1  }
0xc6: {  	_ =	sfence.sel $0xFFFF  }
0xc7: {  	[dreg:$0x0] =	wrdreg $0xFFFFFFFF;
	(pc) =	sbr.abs _section_cstart, $3  }
0xc8: {  	[dreg:$0x1] =	wrdreg $0xFFFFFFFF  }
0xc9: {  	_ =	task.clear_ibuf [dreg:s18], $0x2FFFF;
	_ =	strace $0x9FFFFFFF  }
0xca: {  	(tm) =	ssettm $0x7FFFFFFF  }
0xcb: {  	_ =	shalt  }
tec
execute0_lowered:
.L_overlay_start_1:
0x0: {  	(tag) =	ssettag $0x1  }
0x1: {  	s0 =	rddreg [dreg:$0x0]  }
0x2: {  	s1 =	rddreg [dreg:$0x1]  }
0x3: {  	s2 =	rddreg [dreg:$0x2]  }
0x4: {  	s3 =	rddreg [dreg:$0x3];
	s4 =	stileid.u32  }
0x5: {  	[bflag:$0x3] =	sbarrier.arrive $0xFFFF;
	s5 =	simm.s32 $_size_execute1_lowered;
	p0 =	sne.s32 s4, $0x0  }
0x6: {  	s5 =	sshll.u32 s5, $0x1;
	s6 =	simm.s32 @!p0 $0x1C3F;
	s7 =	simm.s32 @!p0 $0x4060  }
0x7: {  	[timem:s7], [sflag:s6] =	dma.local @!p0 [hbm:s0], s5  }
0x8: {  	s26 =	simm.s32 $0x1;
	s28 =	simm.s32 $0x2;
	_ =	strace $0x80000047  }
0x9: {  	s29 =	simm.s32 $0x0;
	s4 =	sshll.u32 s4, $0x3;
	[sflag:s26] =	ssyncpa.u1 $0x0  }
0xa: {  	s8 =	simm.s32 $0x40;
	s1 =	sadd.s32 s4, s1;
	[sflag:s28] =	ssyncpa.u1 $0x0  }
0xb: {  	[tilespmem:s8], [sflag:$0x1] =	stream.linear.gather [hbm4b:s1+s29], $0x40, $0x38;
	[tilespmem:$0x100] =	vst v63  }
0xc: {  	_ =	swait.ge [sflag:s26], $0x40  }
0xd: {  	[sflag:s26] =	ssyncset.done $0x0  }
0xe: {  	[sflag:s26] =	ssyncadd.s32 $0xFFFFFFC0  }
0xf: {  	v0 =	vld [tilespmem:$0x40]  }
0x10: {  	v1 =	vld [tilespmem:$0x50]  }
0x11: {  	v2 =	vld [tilespmem:$0x60]  }
0x12: {  	v3 =	vld [tilespmem:$0x70];
	_ =	sdelay $0x1  }
0x13: {  	[tilespmem:$0xC0] =	vst v0  }
0x14: {  	[tilespmem:$0xD0] =	vst v1  }
0x15: {  	s30 =	sadd.s32 s4, s2;
	[tilespmem:$0xE0] =	vst v2  }
0x16: {  	s31 =	simm.s32 $0xC0;
	s1 =	sadd.s32 $0x194600, s30;
	[tilespmem:$0xF0] =	vst v3  }
0x17: {  	[hbm4b:s1+s29] =	stream.linear.scatter [tilespmem:s31], [sflag:$0x2], $0x40, $0x38;
	[tilespmem:$0x100] =	vst v63  }
0x18: {  	_ =	swait.ge [sflag:s28], $0x40  }
0x19: {  	[sflag:s28] =	ssyncset.done $0x0  }
0x1a: {  	[sflag:s28] =	ssyncadd.s32 $0xFFFFFFC0  }
0x1b: {  	_ =	sfence.sel $0x180000  }
0x1c: {  	[bflag:$0x0] =	sbarrier.arrive $0xFFFF  }
0x1d: {  	[sflag:s26] =	ssyncpa.u1 $0x1  }
0x1e: {  	[sflag:s28] =	ssyncpa.u1 $0x1  }
0x1f: {  	_ =	strace $0x90000047  }
0x20: {  	s0 =	sadd.s32 @!p0 $0x100000, s3;
	[bflag:$0x2] =	sbarrier.arrive $0xFFFF  }
0x21: {  	[sflag:s0] =	ssyncadd.tile.s32 @!p0 $0x1;
	s0 =	simm.s32 @!p0 $0x3F  }
0x22: {  	_ =	swait.ge @!p0 [sflag:s0], s5  }
0x23: {  	s1 =	ssub.s32 @!p0 $0x0, s5;
	[sflag:s0] =	ssyncset.done @!p0 $0x0  }
0x24: {  	[sflag:s0] =	ssyncadd.s32 @!p0 s1  }
0x25: {  	[bflag:$0x3] =	sbarrier.arrive $0xFFFF  }
0x26: {  	_ =	shalt  }
.Lfunc_end2:
execute1_lowered:
.L_overlay_start_2:
0x27: {  	(tag) =	ssettag $0x2  }
0x28: {  	s7 =	rddreg [dreg:$0x0]  }
0x29: {  	s0 =	rddreg [dreg:$0x1]  }
0x2a: {  	_ =	strace $0x8000004A;
	s3 =	stileid.u32;
	s4 =	simm.s32 $0x3E  }
0x2b: {  	s1 =	sadd.s32 $0x194600, s7;
	p0 =	sne.s32 s3, $0x0;
	[sflag:s4] =	ssyncpa.u1 $0x0  }
0x2c: {  	s30 =	smin.u32 s3, $0x9;
	s2 =	simm.s32 @!p0 $0x1C3E;
	s5 =	simm.s32 @!p0 $0x0  }
0x2d: {  	[spmem:s5], [sflag:s2] =	dma.local @!p0 [hbm:s1], $0x80  }
0x2e: {  	s2 =	sadd.s32 s3, s30  }
0x2f: {  	p1 =	slt.u32 s3, $0x9;
	s3 =	simm.s32 $0x1F40;
	s2 =	smul.u32 $0xFA0, s2  }
0x30: {  	s3 =	simm.s32 @!p1 $0xFA0  }
0x31: {  	s3 =	sadd.s32 s3, s2  }
0x32: {  	s3 =	smin.u32 s3, $0x186A0  }
0x33: {  	s8 =	ssub.s32 s3, s2  }
0x34: {  	p1 =	sgt.s32 s8, $0x0  }
0x35: {  	s8 =	simm.s32 @!p1 $0x0  }
0x36: {  	s5 =	simm.s32 @!p0 $0x3E;
	s31 =	smulhi.u32 $0x10624DD3, s8  }
0x37: {  	_ =	swait.ge @!p0 [sflag:s5], $0x80  }
0x38: {  	s6 =	simm.s32 $0x2;
	[sflag:s5] =	ssyncset.done @!p0 $0x0;
	s9 =	sshrl.u32 s31, $0x8  }
0x39: {  	s11 =	simm.s32 $0x0;
	[sflag:s5] =	ssyncadd.s32 @!p0 $0xFFFFFF80;
	s10 =	smul.u32 $0xFA0, s9  }
.Ltmp0:
0x3a: {  	s5 =	sadd.s32 $0x18A200, s7;
	[bflag:$0x0] =	sbarrier.arrive $0xFFFF;
	(pc) =	sbr.rel .LBB3_1-.Ltmp0, $4  }
0x3b: {  	s7 =	sadd.s32 $0x191400, s7;
	[sflag:s4] =	ssyncpa.u1 $0x1;
	s4 =	simm.s32 $0x1  }
0x3c: {  	[sflag:s4] =	ssyncpa.u1 $0x0;
	p1 =	sne.s32 s8, s10;
	s8 =	simm.s32 $0x1  }
0x3d: {  	(ifvalue) =	ssetifvalue $0x400;
	[sflag:s6] =	ssyncpa.u1 $0x0;
	s8 =	simm.s32 @!p1 $0x0  }
0x3e: {  	vm0 =	vmmov $0xffff;
	s10 =	smov.u32 s2;
	s8 =	sadd.s32 s8, s9;
	s9 =	simm.s32 $0x0  }
.LBB3_5:
0x3f: {  	p2 =	sne.s32 s11, s8  }
.Ltmp1:
0x40: {  	_ = 	snop;
	(pc) =	sbr.rel @!p2 .LBB3_6-.Ltmp1, $4  }
0x41: {  	_ = 	snop  }
0x42: {  	s12 =	sadd.s32 $0xFA0, s10  }
0x43: {  	s10 =	smov.u32 s2;
	s13 =	sadd.s32 $0x1, s11;
	p1 =	slt.s32 s12, s3  }
0x44: {  	s11 =	smov.u32 s13;
	s10 =	smov.u32 @p1 s12  }
.LBB3_1:
0x45: {  	p1 =	sge.u32 s11, s8  }
0x46: {  	s12 =	sxor.u32 @!p1 $0xFFFFFFFF, s11  }
0x47: {  	s12 =	sand.u32 @!p1 $0x1, s12  }
0x48: {  	s12 =	smul.u32 @!p1 $0xFA0, s12  }
0x49: {  	s13 =	sshrl.u32 @!p1 s10, $0x3  }
0x4a: {  	s16 =	sand.u32 @!p1 $0x7, s10;
	s14 =	sadd.s32 @!p1 s5, s13;
	s15 =	sadd.s32 @!p1 $0x40, s12  }
0x4b: {  	[tilespmem:s15], [sflag:$0x2] =	stream.linear.gather @!p1 [hbm4b:s14+s16], $0xFA0, $0x38;
	[tilespmem:$0x3EC0] =	vst v63  }
0x4c: {  	s13 =	sadd.s32 @!p1 s7, s13;
	s12 =	sadd.s32 @!p1 $0x1F80, s12  }
0x4d: {  	[tilespmem:s12], [sflag:$0x2] =	stream.linear.gather @!p1 [hbm4b:s13+s16], $0xFA0, $0x38;
	[tilespmem:$0x3EC0] =	vst v63  }
0x4e: {  	p1 =	seq.s32 s11, $0x0  }
.Ltmp2:
0x4f: {  	_ = 	snop;
	(pc) =	sbr.rel @p1 .LBB3_5-.Ltmp2, $1  }
0x50: {  	_ =	sdelay $0x3  }
0x51: {  	s12 =	sand.u32 $0x1, s11  }
0x52: {  	_ =	swait.ge [sflag:s6], $0x1F40;
	p1 =	seq.s32 s12, $0x1;
	s12 =	simm.s32 $0xFA0  }
0x53: {  	[sflag:s6] =	ssyncset.done $0x0;
	s12 =	simm.s32 @!p1 $0x0  }
0x54: {  	[sflag:s6] =	ssyncadd.s32 $0xFFFFE0C0;
	s14 =	sor.u32 $0x40, s12  }
0x55: {  	v0 =	vld.msk [tilespmem:s14+$0x0 ss:$0x1], $0xffff;
	_ =	sdelay $0x4  }
0x56: {  	v0 =	vmin.u32 v0, $0x400;
	_ =	sdelay $0x3  }
0x57: {  	s13 =	simm.s32 $0x0;
	s12 =	sadd.s32 $0x1F80, s12;
	s14 =	sadd.s32 $0x10, s14  }
0x58: {  	[spmem:s9] =	stream.indirect_vreg.scatter.add.s32 [tilespmem:s12], [sflag:$0x1], $0x1, v0, vm0, $0x4038;
	[tilespmem:$0x3EC0] =	vst v63  }
.LBB3_3:
0x59: {  	v0 =	vld.msk [tilespmem:s14+$0x0 ss:$0x1], $0xffff;
	s13 =	sadd.s32 $0x10, s13  }
0x5a: {  	p1 =	slt.u32 s13, $0xF90;
	_ =	sdelay $0x4  }
0x5b: {  	v0 =	vmin.u32 v0, $0x400  }
.Ltmp3:
0x5c: {  	(pc) =	sbr.rel @p1 .LBB3_3-.Ltmp3, $3  }
0x5d: {  	_ =	sdelay $0x1  }
0x5e: {  	s14 =	sadd.s32 $0x10, s14;
	s12 =	sadd.s32 $0x10, s12  }
0x5f: {  	[spmem:s9] =	stream.indirect_vreg.scatter.add.s32 [tilespmem:s12], [sflag:$0x1], $0x1, v0, vm0, $0x4038;
	[tilespmem:$0x3EC0] =	vst v63  }
.Ltmp4:
0x60: {  	(pc) =	sbr.rel .LBB3_5-.Ltmp4, $4  }
0x61: {  	_ = 	snop  }
0x62: {  	_ =	swait.ge [sflag:s4], $0xFA0  }
0x63: {  	[sflag:s4] =	ssyncset.done $0x0  }
0x64: {  	[sflag:s4] =	ssyncadd.s32 $0xFFFFF060  }
.LBB3_6:
0x65: {  	_ =	sfence.sel $0x180000  }
0x66: {  	s2 =	simm.s32 $0x2;
	[bflag:$0x0] =	sbarrier.arrive $0xFFFF  }
0x67: {  	s30 =	simm.s32 $0x1;
	[sflag:s2] =	ssyncpa.u1 $0x1  }
0x68: {  	[sflag:s30] =	ssyncpa.u1 $0x1  }
0x69: {  	_ =	sfence.stream.spmem  }
0x6a: {  	s31 =	simm.s32 $0x3D;
	[bflag:$0x0] =	sbarrier.arrive $0xFFFF  }
0x6b: {  	s2 =	simm.s32 @p0 $0x3D;
	[sflag:s31] =	ssyncpa.u1 $0x0  }
0x6c: {  	[sflag:s2] =	ssyncpa.u1 @p0 $0x1  }
0x6d: {  	[bflag:$0x0] =	sbarrier.arrive @p0 $0xFFFF  }
0x6e: {  	_ =	strace @p0 $0x9000004A  }
0x6f: {  	s3 =	simm.s32 @!p0 $0x1C3D;
	s2 =	simm.s32 @!p0 $0x0;
	[bflag:$0x2] =	sbarrier.arrive @p0 $0xFFFF  }
0x70: {  	[hbm:s1], [sflag:s3] =	dma.local @!p0 [spmem:s2], $0x80  }
0x71: {  	s1 =	simm.s32 @!p0 $0x3D  }
0x72: {  	_ =	swait.ge @!p0 [sflag:s1], $0x80  }
0x73: {  	[sflag:s1] =	ssyncset.done @!p0 $0x0  }
0x74: {  	[sflag:s1] =	ssyncadd.s32 @!p0 $0xFFFFFF80  }
0x75: {  	[sflag:s1] =	ssyncpa.u1 @!p0 $0x1  }
0x76: {  	[bflag:$0x0] =	sbarrier.arrive @!p0 $0xFFFF  }
0x77: {  	_ =	strace @!p0 $0x9000004A  }
0x78: {  	s0 =	sadd.s32 @!p0 $0x100000, s0;
	[bflag:$0x2] =	sbarrier.arrive @!p0 $0xFFFF  }
0x79: {  	[sflag:s0] =	ssyncadd.tile.s32 @!p0 $0x1;
	_ =	shalt  }
.Lfunc_end3:
_tile_overlayer_lowered:
.L_overlay_start_3:
0x7a: {  	(tag) =	ssettag $0x3  }
0x7b: {  	s0 =	rddreg [dreg:$0x0];
	s2 =	stileid.u32  }
0x7c: {  	s1 =	rddreg [dreg:$0x1];
	p0 =	sne.s32 s2, $0x0  }
0x7d: {  	s3 =	rddreg [dreg:$0x2];
	[bflag:$0x3] =	sbarrier.arrive $0xFFFF;
	s2 =	simm.s32 @!p0 $0x1C01  }
0x7e: {  	[timem:s3], [sflag:s2] =	dma.local @!p0 [hbm:s0], s1  }
0x7f: {  	s0 =	simm.s32 @!p0 $0x1  }
0x80: {  	_ =	swait.ge @!p0 [sflag:s0], s1  }
0x81: {  	s1 =	ssub.s32 @!p0 $0x0, s1;
	[sflag:s0] =	ssyncset.done @!p0 $0x0  }
0x82: {  	[sflag:s0] =	ssyncadd.s32 @!p0 s1  }
0x83: {  	[bflag:$0x3] =	sbarrier.arrive $0xFFFF  }
0x84: {  	_ =	shalt  }

// kernel: scatter_offload_async_start
scs
__scs_entry_jumppad:
0x0: {  	(pc) =	sbr.rel $0x88, $3  }
0x1: {  	(tag) =	ssettag $0x0;
	lr =	simm.s32 $0x1  }
0x2: {  	[smem:$0x3F99] =	sst lr;
	_ =	strace $0xD0000000  }
0x3: {  	_ = 	snop  }
0x4: {  	_ = 	snop  }
0x5: {  	_ = 	snop  }
0x6: {  	_ = 	snop  }
0x7: {  	_ = 	snop  }
__scs_overlays_trampoline_lowered:
0x8: {  	[smem:$0x3FA8] =	sst s0  }
0x9: {  	[smem:$0x3FA9] =	sst s1  }
0xa: {  	[smem:$0x3FAA] =	sst s2  }
0xb: {  	[smem:$0x3FAB] =	sst s3  }
0xc: {  	[smem:$0x3FAC] =	sst s4  }
0xd: {  	[smem:$0x3FAD] =	sst s5  }
0xe: {  	[smem:$0x3FAE] =	sst s6  }
0xf: {  	[smem:$0x3FAF] =	sst s7  }
0x10: {  	[smem:$0x3FB0] =	sst s8  }
0x11: {  	[smem:$0x3FB1] =	sst s9;
	s0 =	simm.s32 @!p0 $0x0  }
0x12: {  	s1 =	sld [smem:$0x3F97];
	s0 =	simm.s32 @p0 $0x1  }
0x13: {  	[smem:$0x3FB2] =	sst s0;
	s0 =	simm.s32 @!p1 $0x0  }
0x14: {  	s2 =	sld [smem:$0x3F96];
	s0 =	simm.s32 @p1 $0x1  }
0x15: {  	[smem:$0x3FB3] =	sst s0;
	s0 =	simm.s32 @!p2 $0x0  }
0x16: {  	s3 =	sld [smem:$0x3FDB];
	s0 =	simm.s32 @p2 $0x1  }
0x17: {  	s4 =	simm.s32 $0x1BF5;
	[smem:$0x3FB5] =	sst s0  }
0x18: {  	s0 =	sld [smem:$0x3F98];
	_ =	swait.ge [sflag:s4], $0x0  }
0x19: {  	s7 =	sld [smem:$0x3F99]  }
0x1a: {  	s8 =	sadd.s32 $0xFFFFE003, lr  }
0x1b: {  	s9 =	sadd.s32 $0xFFFFFEF7, lr;
	s5 =	simm.s32 $0xFFFFFFFF;
	p2 =	slt.u32 s8, $0xFFFFF086  }
0x1c: {  	p1 =	slt.u32 s9, $0xF7A;
	s5 =	simm.s32 @!p2 $0x0  }
0x1d: {  	s5 =	simm.s32 @p1 $0x1;
	p0 =	seq.s32 s7, s2  }
0x1e: {  	s7 =	smul.u32 @!p0 $0xF7A, s2;
	p2 =	seq.s32 @!p0 s5, $0x0  }
0x1f: {  	s9 =	smul.u32 $0xF7A, s1;
	s8 =	simm.s32 @!p0 $0x1BF5;
	p2 =	por !p2, p0  }
0x20: {  	[sflag:s8] =	ssyncset.s32 @!p0 $0xFFFFF086;
	s6 =	sadd.s32 @!p0 s3, s7;
	s7 =	simm.s32 @!p0 $0x108  }
0x21: {  	s3 =	sadd.s32 s3, s9;
	s6 =	sadd.s32 @!p0 $0x88, s6;
	s7 =	simm.s32 @p2 $0x1082  }
0x22: {  	[simem:s7], [sflag:s8] =	dma.local @!p0 [hbm:s6], $0xF7A  }
0x23: {  	s9 =	sor.u32 $0xD0000000, s2;
	s6 =	simm.s32 $0x108;
	_ =	swait.ge @!p0 [sflag:s8], $0x0  }
0x24: {  	s3 =	sadd.s32 $0x88, s3;
	s6 =	simm.s32 @!p1 $0x1082;
	[sflag:s4] =	ssyncset.s32 $0xFFFFF086  }
0x25: {  	[simem:s6], [sflag:s4] =	dma.local [hbm:s3], $0xF7A  }
0x26: {  	[smem:$0x3F99] =	sst s1;
	(tag) =	ssettag s2;
	_ =	strace s9  }
0x27: {  	s1 =	sld [smem:$0x3FA9]  }
0x28: {  	s2 =	sld [smem:$0x3FAA]  }
0x29: {  	s4 =	sld [smem:$0x3FAC]  }
0x2a: {  	p0 =	seq.s32 s5, $0x0;
	s5 =	sld [smem:$0x3FAD]  }
0x2b: {  	s6 =	sld [smem:$0x3FAE]  }
0x2c: {  	s7 =	sld [smem:$0x3FAF]  }
0x2d: {  	s3 =	simm.s32 $0x108;
	s8 =	sld [smem:$0x3FB0]  }
0x2e: {  	s3 =	simm.s32 @!p0 $0x1082;
	s9 =	sld [smem:$0x3FB1]  }
0x2f: {  	lr =	sadd.s32 s0, s3;
	s0 =	sld [smem:$0x3FA8]  }
0x30: {  	s3 =	sld [smem:$0x3FAB]  }
0x31: {  	[smem:$0x3FB4] =	sst s10  }
0x32: {  	s10 =	sld [smem:$0x3FB2];
	_ =	sdelay $0x3  }
0x33: {  	p0 =	seq.s32 s10, $0x1;
	s10 =	sld [smem:$0x3FB4];
	_ =	sdelay $0x3  }
0x34: {  	[smem:$0x3FB4] =	sst s10  }
0x35: {  	s10 =	sld [smem:$0x3FB3];
	_ =	sdelay $0x3  }
0x36: {  	p1 =	seq.s32 s10, $0x1;
	s10 =	sld [smem:$0x3FB4];
	_ =	sdelay $0x3  }
0x37: {  	[smem:$0x3FB4] =	sst s10  }
0x38: {  	s10 =	sld [smem:$0x3FB5]  }
0x39: {  	_ = 	snop;
	(pc) =	sbr.ind lr, $3  }
0x3a: {  	_ = 	snop  }
0x3b: {  	_ = 	snop  }
0x3c: {  	p2 =	seq.s32 s10, $0x1;
	s10 =	sld [smem:$0x3FB4]  }
0x3d: {  	_ =	shalt  }
0x3e: {  	_ =	shalt  }
0x3f: {  	_ =	shalt  }
0x40: {  	_ =	shalt  }
0x41: {  	_ =	shalt  }
0x42: {  	_ =	shalt  }
0x43: {  	_ =	shalt  }
0x44: {  	_ =	shalt  }
0x45: {  	_ =	shalt  }
0x46: {  	_ =	shalt  }
0x47: {  	_ =	shalt  }
0x48: {  	_ =	shalt  }
0x49: {  	_ =	shalt  }
0x4a: {  	_ =	shalt  }
0x4b: {  	_ =	shalt  }
0x4c: {  	_ =	shalt  }
0x4d: {  	_ =	shalt  }
0x4e: {  	_ =	shalt  }
0x4f: {  	_ =	shalt  }
0x50: {  	_ =	shalt  }
0x51: {  	_ =	shalt  }
0x52: {  	_ =	shalt  }
0x53: {  	_ =	shalt  }
0x54: {  	_ =	shalt  }
0x55: {  	_ =	shalt  }
0x56: {  	_ =	shalt  }
0x57: {  	_ =	shalt  }
0x58: {  	_ =	shalt  }
0x59: {  	_ =	shalt  }
0x5a: {  	_ =	shalt  }
0x5b: {  	_ =	shalt  }
0x5c: {  	_ =	shalt  }
0x5d: {  	_ =	shalt  }
0x5e: {  	_ =	shalt  }
0x5f: {  	_ =	shalt  }
0x60: {  	_ =	shalt  }
0x61: {  	_ =	shalt  }
0x62: {  	_ =	shalt  }
0x63: {  	_ =	shalt  }
0x64: {  	_ =	shalt  }
0x65: {  	_ =	shalt  }
0x66: {  	_ =	shalt  }
0x67: {  	_ =	shalt  }
0x68: {  	_ =	shalt  }
0x69: {  	_ =	shalt  }
0x6a: {  	_ =	shalt  }
0x6b: {  	_ =	shalt  }
0x6c: {  	_ =	shalt  }
0x6d: {  	_ =	shalt  }
0x6e: {  	_ =	shalt  }
0x6f: {  	_ =	shalt  }
0x70: {  	_ =	shalt  }
0x71: {  	_ =	shalt  }
0x72: {  	_ =	shalt  }
0x73: {  	_ =	shalt  }
0x74: {  	_ =	shalt  }
0x75: {  	_ =	shalt  }
0x76: {  	_ =	shalt  }
0x77: {  	_ =	shalt  }
0x78: {  	_ =	shalt  }
0x79: {  	_ =	shalt  }
0x7a: {  	_ =	shalt  }
0x7b: {  	_ =	shalt  }
0x7c: {  	_ =	shalt  }
0x7d: {  	_ =	shalt  }
0x7e: {  	_ =	shalt  }
0x7f: {  	_ =	shalt  }
0x80: {  	_ =	shalt  }
0x81: {  	_ =	shalt  }
0x82: {  	_ =	shalt  }
0x83: {  	_ =	shalt  }
0x84: {  	_ =	shalt  }
0x85: {  	_ =	shalt  }
0x86: {  	_ =	shalt  }
0x87: {  	_ =	shalt  }
.Lfunc_end0:
.L_simem_size_0:
called_computation_lowered:
.L_overlay_start_0:
0x88: {  	s0 =	sld [smem:$0x3FD9]  }
0x89: {  	s1 =	sld [smem:$0x3FFE];
	_ =	sdelay $0x3  }
0x8a: {  	s0 =	sadd.s32 s1, s0  }
0x8b: {  	[smem:$0x3FC0] =	sst s0  }
0x8c: {  	_ = 	snop  }
0x8d: {  	s0 =	sld [smem:$0x3FD0];
	(tm) =	ssettm $0x1  }
0x8e: {  	s16 =	sld [smem:$0x3FFB];
	_ =	sdelay $0x3  }
0x8f: {  	_ =	strace s16  }
0x90: {  	s1 =	sld [smem:$0x3FFC];
	_ =	sdelay $0x3  }
0x91: {  	_ =	strace s1  }
0x92: {  	s1 =	sld [smem:$0x3FFD];
	_ =	sdelay $0x3  }
0x93: {  	_ =	strace s1  }
0x94: {  	_ =	strace $0x8FFFFFFF  }
0x95: {  	s17 =	sld [smem:$0x3FDB];
	_ =	sdelay $0x1  }
0x96: {  	s2 =	simm.s32 $_scs_section_size  }
0x97: {  	s3 =	simm.s32 $_size__tile_overlayer_lowered;
	s4 =	simm.s32 $_tile_overlayer_lowered  }
0x98: {  	s20 =	simm.s32 $0x1BFF;
	s19 =	sshll.u32 s4, $0x1;
	s1 =	sadd.s32 s2, s17  }
0x99: {  	s5 =	simm.s32 $0x0;
	s18 =	sshll.u32 s3, $0x1;
	s3 =	sadd.s32 s19, s1  }
0x9a: {  	[timem:s5], [sflag:s20] =	dma.local [hbm:s3], s18  }
0x9b: {  	_ =	swait.ge [sflag:s20], s18  }
0x9c: {  	s2 =	ssub.s32 $0x0, s18;
	[sflag:s20] =	ssyncset.done $0x0  }
0x9d: {  	[sflag:s20] =	ssyncadd.s32 s2;
	_ =	sdelay $0x1  }
0x9e: {  	s21 =	simm.s32 $0x1B8B  }
0x9f: {  	_ =	swait.ge [sflag:s21], $0x1  }
0xa0: {  	[sflag:s21] =	ssyncset.done $0x0  }
0xa1: {  	s23 =	simm.s32 $0x1B8E;
	s22 =	sld [smem:$0x3FFE];
	[sflag:s21] =	ssyncadd.s32 $0xFFFFFFFF  }
0xa2: {  	s24 =	simm.s32 $execute0_lowered;
	[smem:$0x3FD2] =	sst s23  }
0xa3: {  	s3 =	sshll.u32 s24, $0x1;
	_ =	strace $0x8000004C;
	[dreg:$0x1] =	wrdreg $0xFFFFFFFF  }
0xa4: {  	s25 =	simm.s32 $_size_execute0_lowered;
	s1 =	sadd.s32 s1, s3;
	[dreg:$0x0] =	wrdreg $0x0  }
0xa5: {  	s3 =	sshll.u32 s25, $0x1;
	[dreg:$0x2] =	wrdreg s1  }
0xa6: {  	[dreg:$0x3] =	wrdreg s3  }
0xa7: {  	[dreg:$0x4] =	wrdreg $0xC0  }
0xa8: {  	_ =	task [dreg:s5], $0x5FFFF  }
0xa9: {  	[dreg:$0x1] =	wrdreg $0xFFFFFFFF  }
0xaa: {  	[dreg:$0x0] =	wrdreg $0x60  }
0xab: {  	[dreg:$0x2] =	wrdreg s0  }
0xac: {  	[dreg:$0x3] =	wrdreg s22  }
0xad: {  	[dreg:$0x4] =	wrdreg $0x9  }
0xae: {  	_ =	task.clear_ibuf [dreg:s5], $0x5FFFF;
	_ =	strace $0x9000004C  }
0xaf: {  	s26 =	simm.s32 $0x9;
	_ =	strace $0x8000004E  }
0xb0: {  	_ =	swait.ge [sflag:s26], $0x1  }
0xb1: {  	[sflag:s26] =	ssyncadd.s32 $0xFFFFFFFF  }
0xb2: {  	_ =	strace $0x9000004E  }
0xb3: {  	_ =	sfence  }
0xb4: {  	s28 =	sld [smem:$0x0];
	_ =	sdelay $0x1  }
0xb5: {  	s29 =	srdreg.scid  }
0xb6: {  	s30 =	sshll.u32 s29, $0xD;
	s31 =	sshrl.u32 s29, $0x2  }
0xb7: {  	s2 =	sand.u32 $0x4000, s30;
	s1 =	sand.u32 $0x1, s29;
	s0 =	sadd.s32 s31, s28  }
0xb8: {  	s1 =	sor.u32 s2, s1;
	s0 =	sshll.u32 s0, $0x11  }
0xb9: {  	s0 =	sor.u32 s0, s1  }
0xba: {  	s0 =	sadd.s32 $0x8F2B, s0  }
0xbb: {  	[sflag:s0] =	ssyncadd.remote.s32 $0x1  }
0xbc: {  	_ =	sfence.sel $0xFFFF  }
0xbd: {  	[dreg:$0x0] =	wrdreg $0xFFFFFFFF;
	(pc) =	sbr.abs _section_cstart, $3  }
0xbe: {  	[dreg:$0x1] =	wrdreg $0xFFFFFFFF  }
0xbf: {  	_ =	task.clear_ibuf [dreg:s5], $0x2FFFF;
	_ =	strace $0x9FFFFFFF  }
0xc0: {  	(tm) =	ssettm $0x7FFFFFFF  }
0xc1: {  	_ =	shalt  }
tec
execute0_lowered:
.L_overlay_start_1:
0x0: {  	(tag) =	ssettag $0x1  }
0x1: {  	s1 =	rddreg [dreg:$0x0]  }
0x2: {  	s7 =	rddreg [dreg:$0x1]  }
0x3: {  	s0 =	rddreg [dreg:$0x2]  }
0x4: {  	s3 =	stileid.u32;
	_ =	strace $0x8000004D;
	s4 =	simm.s32 $0x3E  }
0x5: {  	p0 =	sne.s32 s3, $0x0;
	[sflag:s4] =	ssyncpa.u1 $0x0  }
0x6: {  	s30 =	smin.u32 s3, $0x9;
	s2 =	simm.s32 @!p0 $0x1C3E;
	s5 =	simm.s32 @!p0 $0x0  }
0x7: {  	[spmem:s5], [sflag:s2] =	dma.local @!p0 [hbm:s1], $0x80  }
0x8: {  	s2 =	sadd.s32 s3, s30  }
0x9: {  	p1 =	slt.u32 s3, $0x9;
	s3 =	simm.s32 $0x1F40;
	s2 =	smul.u32 $0xFA0, s2  }
0xa: {  	s3 =	simm.s32 @!p1 $0xFA0  }
0xb: {  	s3 =	sadd.s32 s3, s2  }
0xc: {  	s3 =	smin.u32 s3, $0x186A0  }
0xd: {  	s8 =	ssub.s32 s3, s2  }
0xe: {  	p1 =	sgt.s32 s8, $0x0  }
0xf: {  	s8 =	simm.s32 @!p1 $0x0  }
0x10: {  	s5 =	simm.s32 @!p0 $0x3E;
	s31 =	smulhi.u32 $0x10624DD3, s8  }
0x11: {  	_ =	swait.ge @!p0 [sflag:s5], $0x80  }
0x12: {  	s6 =	simm.s32 $0x2;
	[sflag:s5] =	ssyncset.done @!p0 $0x0;
	s9 =	sshrl.u32 s31, $0x8  }
0x13: {  	s11 =	simm.s32 $0x0;
	[sflag:s5] =	ssyncadd.s32 @!p0 $0xFFFFFF80;
	s10 =	smul.u32 $0xFA0, s9  }
.Ltmp0:
0x14: {  	s5 =	sadd.s32 $0x18D600, s7;
	[bflag:$0x0] =	sbarrier.arrive $0xFFFF;
	(pc) =	sbr.rel .LBB2_1-.Ltmp0, $4  }
0x15: {  	s7 =	sadd.s32 $0x191400, s7;
	[sflag:s4] =	ssyncpa.u1 $0x1;
	s4 =	simm.s32 $0x1  }
0x16: {  	[sflag:s4] =	ssyncpa.u1 $0x0;
	p1 =	sne.s32 s8, s10;
	s8 =	simm.s32 $0x1  }
0x17: {  	(ifvalue) =	ssetifvalue $0x400;
	[sflag:s6] =	ssyncpa.u1 $0x0;
	s8 =	simm.s32 @!p1 $0x0  }
0x18: {  	vm0 =	vmmov $0xffff;
	s10 =	smov.u32 s2;
	s8 =	sadd.s32 s8, s9;
	s9 =	simm.s32 $0x0  }
.LBB2_5:
0x19: {  	p2 =	sne.s32 s11, s8  }
.Ltmp1:
0x1a: {  	_ = 	snop;
	(pc) =	sbr.rel @!p2 .LBB2_6-.Ltmp1, $4  }
0x1b: {  	_ = 	snop  }
0x1c: {  	s12 =	sadd.s32 $0xFA0, s10  }
0x1d: {  	s10 =	smov.u32 s2;
	s13 =	sadd.s32 $0x1, s11;
	p1 =	slt.s32 s12, s3  }
0x1e: {  	s11 =	smov.u32 s13;
	s10 =	smov.u32 @p1 s12  }
.LBB2_1:
0x1f: {  	p1 =	sge.u32 s11, s8  }
0x20: {  	s12 =	sxor.u32 @!p1 $0xFFFFFFFF, s11  }
0x21: {  	s12 =	sand.u32 @!p1 $0x1, s12  }
0x22: {  	s12 =	smul.u32 @!p1 $0xFA0, s12  }
0x23: {  	s13 =	sshrl.u32 @!p1 s10, $0x3  }
0x24: {  	s16 =	sand.u32 @!p1 $0x7, s10;
	s14 =	sadd.s32 @!p1 s5, s13;
	s15 =	sadd.s32 @!p1 $0x40, s12  }
0x25: {  	[tilespmem:s15], [sflag:$0x2] =	stream.linear.gather @!p1 [hbm4b:s14+s16], $0xFA0, $0x38;
	[tilespmem:$0x3EC0] =	vst v63  }
0x26: {  	s13 =	sadd.s32 @!p1 s7, s13;
	s12 =	sadd.s32 @!p1 $0x1F80, s12  }
0x27: {  	[tilespmem:s12], [sflag:$0x2] =	stream.linear.gather @!p1 [hbm4b:s13+s16], $0xFA0, $0x38;
	[tilespmem:$0x3EC0] =	vst v63  }
0x28: {  	p1 =	seq.s32 s11, $0x0  }
.Ltmp2:
0x29: {  	_ = 	snop;
	(pc) =	sbr.rel @p1 .LBB2_5-.Ltmp2, $1  }
0x2a: {  	_ =	sdelay $0x3  }
0x2b: {  	s12 =	sand.u32 $0x1, s11  }
0x2c: {  	_ =	swait.ge [sflag:s6], $0x1F40;
	p1 =	seq.s32 s12, $0x1;
	s12 =	simm.s32 $0xFA0  }
0x2d: {  	[sflag:s6] =	ssyncset.done $0x0;
	s12 =	simm.s32 @!p1 $0x0  }
0x2e: {  	[sflag:s6] =	ssyncadd.s32 $0xFFFFE0C0;
	s14 =	sor.u32 $0x40, s12  }
0x2f: {  	v0 =	vld.msk [tilespmem:s14+$0x0 ss:$0x1], $0xffff;
	_ =	sdelay $0x4  }
0x30: {  	v0 =	vmin.u32 v0, $0x400;
	_ =	sdelay $0x3  }
0x31: {  	s13 =	simm.s32 $0x0;
	s12 =	sadd.s32 $0x1F80, s12;
	s14 =	sadd.s32 $0x10, s14  }
0x32: {  	[spmem:s9] =	stream.indirect_vreg.scatter.add.s32 [tilespmem:s12], [sflag:$0x1], $0x1, v0, vm0, $0x4038;
	[tilespmem:$0x3EC0] =	vst v63  }
.LBB2_3:
0x33: {  	v0 =	vld.msk [tilespmem:s14+$0x0 ss:$0x1], $0xffff;
	s13 =	sadd.s32 $0x10, s13  }
0x34: {  	p1 =	slt.u32 s13, $0xF90;
	_ =	sdelay $0x4  }
0x35: {  	v0 =	vmin.u32 v0, $0x400  }
.Ltmp3:
0x36: {  	(pc) =	sbr.rel @p1 .LBB2_3-.Ltmp3, $3  }
0x37: {  	_ =	sdelay $0x1  }
0x38: {  	s14 =	sadd.s32 $0x10, s14;
	s12 =	sadd.s32 $0x10, s12  }
0x39: {  	[spmem:s9] =	stream.indirect_vreg.scatter.add.s32 [tilespmem:s12], [sflag:$0x1], $0x1, v0, vm0, $0x4038;
	[tilespmem:$0x3EC0] =	vst v63  }
.Ltmp4:
0x3a: {  	(pc) =	sbr.rel .LBB2_5-.Ltmp4, $4  }
0x3b: {  	_ = 	snop  }
0x3c: {  	_ =	swait.ge [sflag:s4], $0xFA0  }
0x3d: {  	[sflag:s4] =	ssyncset.done $0x0  }
0x3e: {  	[sflag:s4] =	ssyncadd.s32 $0xFFFFF060  }
.LBB2_6:
0x3f: {  	_ =	sfence.sel $0x180000  }
0x40: {  	s2 =	simm.s32 $0x2;
	[bflag:$0x0] =	sbarrier.arrive $0xFFFF  }
0x41: {  	s30 =	simm.s32 $0x1;
	[sflag:s2] =	ssyncpa.u1 $0x1  }
0x42: {  	[sflag:s30] =	ssyncpa.u1 $0x1  }
0x43: {  	_ =	sfence.stream.spmem  }
0x44: {  	s31 =	simm.s32 $0x3D;
	[bflag:$0x0] =	sbarrier.arrive $0xFFFF  }
0x45: {  	s2 =	simm.s32 @p0 $0x3D;
	[sflag:s31] =	ssyncpa.u1 $0x0  }
0x46: {  	[sflag:s2] =	ssyncpa.u1 @p0 $0x1  }
0x47: {  	[bflag:$0x0] =	sbarrier.arrive @p0 $0xFFFF  }
0x48: {  	_ =	strace @p0 $0x9000004D  }
0x49: {  	s3 =	simm.s32 @!p0 $0x1C3D;
	s2 =	simm.s32 @!p0 $0x0;
	[bflag:$0x2] =	sbarrier.arrive @p0 $0xFFFF  }
0x4a: {  	[hbm:s1], [sflag:s3] =	dma.local @!p0 [spmem:s2], $0x80  }
0x4b: {  	s1 =	simm.s32 @!p0 $0x3D  }
0x4c: {  	_ =	swait.ge @!p0 [sflag:s1], $0x80  }
0x4d: {  	[sflag:s1] =	ssyncset.done @!p0 $0x0  }
0x4e: {  	[sflag:s1] =	ssyncadd.s32 @!p0 $0xFFFFFF80  }
0x4f: {  	[sflag:s1] =	ssyncpa.u1 @!p0 $0x1  }
0x50: {  	[bflag:$0x0] =	sbarrier.arrive @!p0 $0xFFFF  }
0x51: {  	_ =	strace @!p0 $0x9000004D  }
0x52: {  	s0 =	sadd.s32 @!p0 $0x100000, s0;
	[bflag:$0x2] =	sbarrier.arrive @!p0 $0xFFFF  }
0x53: {  	[sflag:s0] =	ssyncadd.tile.s32 @!p0 $0x1;
	_ =	shalt  }
.Lfunc_end2:
_tile_overlayer_lowered:
.L_overlay_start_2:
0x54: {  	(tag) =	ssettag $0x2  }
0x55: {  	s0 =	rddreg [dreg:$0x0];
	s2 =	stileid.u32  }
0x56: {  	s1 =	rddreg [dreg:$0x1];
	p0 =	sne.s32 s2, $0x0  }
0x57: {  	s3 =	rddreg [dreg:$0x2];
	[bflag:$0x3] =	sbarrier.arrive $0xFFFF;
	s2 =	simm.s32 @!p0 $0x1C01  }
0x58: {  	[timem:s3], [sflag:s2] =	dma.local @!p0 [hbm:s0], s1  }
0x59: {  	s0 =	simm.s32 @!p0 $0x1  }
0x5a: {  	_ =	swait.ge @!p0 [sflag:s0], s1  }
0x5b: {  	s1 =	ssub.s32 @!p0 $0x0, s1;
	[sflag:s0] =	ssyncset.done @!p0 $0x0  }
0x5c: {  	[sflag:s0] =	ssyncadd.s32 @!p0 s1  }
0x5d: {  	[bflag:$0x3] =	sbarrier.arrive $0xFFFF  }
0x5e: {  	_ =	shalt  }

</sc_bundles>
